<compile_context>
chip_gen: v7x
topology: tpu7x:2x2x1
jax: 0.10.2.dev20260603
libtpu: 0.0.44.dev20260713+nightly
codegen_flags: <defaults>
</compile_context>

<pallas_src>
import functools

import jax
import jax.numpy as jnp
from jax import lax
from jax.experimental import pallas as pl
from jax.experimental.pallas import tpu as pltpu
from jax.experimental.pallas import tpu_sc as plsc

NC = 2
NS = 16
L = 16
NW = NC * NS

CHUNK = 128


def _bins_16(raw, v_min, v_max, num_bins):
    div = jnp.float32(num_bins - 1)

    def bval(idx):
        s = idx.astype(jnp.float32) / div
        return jnp.float32(v_min) * (1.0 - s) + jnp.float32(v_max) * s

    v = jnp.clip(raw, v_min, v_max)
    inv_step = (num_bins - 1) / (v_max - v_min)
    e = (v - v_min) * inv_step
    i0 = jnp.minimum((e + 0.5).astype(jnp.int32), num_bins - 1)
    im1 = jnp.maximum(i0 - 1, 0)
    b_lo = bval(im1)
    b_hi = bval(i0)
    one = jnp.ones((L,), jnp.int32)
    zero = jnp.zeros((L,), jnp.int32)
    c = (i0 - 1) + jnp.where(b_lo < v, one, zero) + jnp.where(b_hi < v, one, zero)
    return jnp.clip(c, 0, num_bins - 1)


def _sc_body(enc_hbm, pt_hbm, et_hbm, ptab_hbm, etab_hbm,
             out_hbm, ptv, etv, pbin_v, ebin_v,
             enc_v, prow_v, erow_v, sem0, sem1, *, tokens_per_tile, h):
    wid = lax.axis_index("s") * NC + lax.axis_index("c")
    tile_base = wid * tokens_per_tile

    def chunk_body(g, carry):
        base = tile_base + g * CHUNK
        pltpu.sync_copy(pt_hbm.at[pl.ds(base, CHUNK)], ptv)
        pltpu.sync_copy(et_hbm.at[pl.ds(base, CHUNK)], etv)
        enc_copy = pltpu.async_copy(enc_hbm.at[pl.ds(base, CHUNK)], enc_v, sem1)

        for i in range(CHUNK // L):
            sl = pl.ds(i * L, L)
            pbin_v[sl] = _bins_16(ptv[sl], 50.0, 400.0, 256)
            ebin_v[sl] = _bins_16(etv[sl], 0.0, 1.0, 256)

        gp = pltpu.async_copy(ptab_hbm.at[pbin_v], prow_v, sem0)
        ge = pltpu.async_copy(etab_hbm.at[ebin_v], erow_v, sem0)
        gp.wait()
        ge.wait()
        enc_copy.wait()

        def row_body(r, c2):
            for j in range(h // L):
                sl2 = pl.ds(j * L, L)
                enc_v[r, sl2] = enc_v[r, sl2] + prow_v[r, sl2] + erow_v[r, sl2]
            return c2

        lax.fori_loop(0, CHUNK, row_body, 0, unroll=False)
        pltpu.sync_copy(enc_v, out_hbm.at[pl.ds(base, CHUNK)])
        return carry

    lax.fori_loop(0, tokens_per_tile // CHUNK, chunk_body, 0, unroll=False)


def kernel(encoder_output, pitch_target, energy_target, pitch_table, energy_table):
    b, t, h = encoder_output.shape
    n = b * t
    num_pitch = pitch_table.shape[0]
    num_energy = energy_table.shape[0]
    tokens_per_tile = n // NW

    enc2 = encoder_output.reshape(n, h)
    pt = pitch_target.reshape(n)
    et = energy_target.reshape(n)

    mesh = plsc.VectorSubcoreMesh(
        core_axis_name="c", subcore_axis_name="s",
        num_cores=NC, num_subcores=NS)

    run = pl.kernel(
        functools.partial(_sc_body, tokens_per_tile=tokens_per_tile, h=h),
        out_type=jax.ShapeDtypeStruct((n, h), jnp.float32),
        mesh=mesh,
        scratch_types=[
            pltpu.VMEM((CHUNK,), jnp.float32),
            pltpu.VMEM((CHUNK,), jnp.float32),
            pltpu.VMEM((CHUNK,), jnp.int32),
            pltpu.VMEM((CHUNK,), jnp.int32),
            pltpu.VMEM((CHUNK, h), jnp.float32),
            pltpu.VMEM((CHUNK, h), jnp.float32),
            pltpu.VMEM((CHUNK, h), jnp.float32),
            pltpu.SemaphoreType.DMA,
            pltpu.SemaphoreType.DMA,
        ],
    )
    out2 = run(enc2, pt, et, pitch_table, energy_table)
    expanded_lengths = jnp.full((b,), t, dtype=jnp.int32)
    return (out2.reshape(b, t, h), expanded_lengths)

# --- scband reference (transcript-rebuilt; emitter-appended) ---
"""Pipeline reference for scband-accent-variance-adaptor-29841432772652 (READ-ONLY COPY).

The authoritative reference and input builder live on the scoring server;
editing this copy changes nothing except your own understanding.
"""

import jax, jax.numpy as jnp
import numpy as np

B, T, H = 16, 4096, 256
NUM_PITCH_BINS = 256
NUM_ENERGY_BINS = 256


def setup_inputs(seed: int = 0) -> dict:
    key = jax.random.key(seed)
    k1, k2, k3, k4, k5 = jax.random.split(key, 5)
    encoder_output = jax.random.normal(k1, (B, T, H), dtype=jnp.float32)
    pitch_target = jax.random.uniform(k2, (B, T), dtype=jnp.float32)
    energy_target = jax.random.uniform(k3, (B, T), dtype=jnp.float32)
    pitch_table = jax.random.normal(k4, (NUM_PITCH_BINS, H), dtype=jnp.float32)
    energy_table = jax.random.normal(k5, (NUM_ENERGY_BINS, H), dtype=jnp.float32)
    return {
        "encoder_output": encoder_output,
        "pitch_target": pitch_target,
        "energy_target": energy_target,
        "pitch_table": pitch_table,
        "energy_table": energy_table,
    }


def _quantize(values, num_bins, v_min, v_max):
    # torch.clamp + torch.bucketize(right=False) + clamp
    v = jnp.clip(values, v_min, v_max)
    boundaries = jnp.linspace(v_min, v_max, num_bins)
    bins = jnp.searchsorted(boundaries, v, side="left")
    return jnp.clip(bins, 0, num_bins - 1)


def reference(encoder_output, pitch_target, energy_target, pitch_table, energy_table):
    b, t, h = encoder_output.shape
    # duration_target is None -> expanded_lengths = full seq_len
    expanded_lengths = jnp.full((b,), t, dtype=jnp.int32)
    pad_mask = jnp.arange(t)[None, :] >= expanded_lengths[:, None]  # all False here

    out = encoder_output

    pitch_bins = _quantize(pitch_target, pitch_table.shape[0], 50.0, 400.0)
    pitch_emb = jnp.take(pitch_table, pitch_bins, axis=0)
    pitch_emb = jnp.where(pad_mask[..., None], 0.0, pitch_emb)
    # dropout in eval mode -> identity
    out = out + pitch_emb

    energy_bins = _quantize(energy_target, energy_table.shape[0], 0.0, 1.0)
    energy_emb = jnp.take(energy_table, energy_bins, axis=0)
    energy_emb = jnp.where(pad_mask[..., None], 0.0, energy_emb)
    out = out + energy_emb

    return (out, expanded_lengths)

if __name__ == "__main__":
    import jax
    _d = setup_inputs()
    print(jax.jit(kernel)(*tuple(_d.values())))

</pallas_src>

<mosaic_0001>
#map = affine_map<(d0, d1) -> (0, 0)>
#map1 = affine_map<(d0, d1) -> (0)>
module attributes {stable_mosaic.version = 14 : i64} {
  func.func @_sc_body(%arg0: i32, %arg1: i32, %arg2: memref<65536x256xf32, #tpu.memory_space<hbm>>, %arg3: memref<65536xf32, #tpu.memory_space<hbm>>, %arg4: memref<65536xf32, #tpu.memory_space<hbm>>, %arg5: memref<256x256xf32, #tpu.memory_space<hbm>>, %arg6: memref<256x256xf32, #tpu.memory_space<hbm>>, %arg7: memref<65536x256xf32, #tpu.memory_space<hbm>>, %arg8: memref<128xf32, #tpu.memory_space<vmem>>, %arg9: memref<128xf32, #tpu.memory_space<vmem>>, %arg10: memref<128xi32, #tpu.memory_space<vmem>>, %arg11: memref<128xi32, #tpu.memory_space<vmem>>, %arg12: memref<128x256xf32, #tpu.memory_space<vmem>>, %arg13: memref<128x256xf32, #tpu.memory_space<vmem>>, %arg14: memref<128x256xf32, #tpu.memory_space<vmem>>, %arg15: memref<!tpu.dma_semaphore, #tpu.memory_space<semaphore_mem>>, %arg16: memref<!tpu.dma_semaphore, #tpu.memory_space<semaphore_mem>>) attributes {dimension_semantics = [#tpu.dimension_semantics<core_parallel>, #tpu.dimension_semantics<subcore_parallel>], iteration_bounds = array<i64: 2, 16>, scalar_prefetch = 0 : i64, scratch_operands = 9 : i64, tpu.core_type = #tpu.core_type<sc_vector_subcore>, window_params = [{transform_indices = #map}, {transform_indices = #map1}, {transform_indices = #map1}, {transform_indices = #map}, {transform_indices = #map}, {transform_indices = #map}]} {
    %mul3A = arith.constant 2 : i32
    %mul3A_0 = arith.muli %arg1, %mul3A : i32
    %add3A = arith.addi %mul3A_0, %arg0 : i32
    %mul3A_1 = arith.constant 2048 : i32
    %mul3A_2 = arith.muli %add3A, %mul3A_1 : i32
    %scan3A = arith.constant 0 : i32
    %scan3A_3 = arith.constant 0 : i32
    %scan3A_4 = arith.constant 16 : i32
    %scan3A_5 = arith.addi %scan3A_3, %scan3A_4 : i32
    %scan3A_6 = arith.constant 1 : i32
    scf.for %scan3A_8 = %scan3A_3 to %scan3A_5 step %scan3A_6  : i32 {
      %mul3A_9 = arith.constant 128 : i32
      %mul3A_10 = arith.muli %scan3A_8, %mul3A_9 : i32
      %add3A_11 = arith.addi %mul3A_2, %mul3A_10 : i32
      "tpu.region"() ({
        %run_scoped3A = tpu.sem_alloc : memref<!tpu.dma_semaphore, #tpu.memory_space<semaphore_mem>>
        %dma_start3A_1289 = tpu.memref_slice %arg3[%add3A_11] : memref<65536xf32, #tpu.memory_space<hbm>> -> memref<128xf32, #tpu.memory_space<hbm>>
        %dma_start3A_1290 = tpu.memref_slice %arg3[%add3A_11] : memref<65536xf32, #tpu.memory_space<hbm>> -> memref<128xf32, #tpu.memory_space<hbm>>
        tpu.enqueue_dma source(%dma_start3A_1290 : memref<128xf32, #tpu.memory_space<hbm>>) target(%arg8 : memref<128xf32, #tpu.memory_space<vmem>>) target_semaphore(%run_scoped3A : memref<!tpu.dma_semaphore, #tpu.memory_space<semaphore_mem>>)
        %dma_wait3A_1291 = tpu.memref_slice %arg3[%add3A_11] : memref<65536xf32, #tpu.memory_space<hbm>> -> memref<128xf32, #tpu.memory_space<hbm>>
        %dma_wait3A_1292 = tpu.memref_slice %arg3[%add3A_11] : memref<65536xf32, #tpu.memory_space<hbm>> -> memref<128xf32, #tpu.memory_space<hbm>>
        tpu.wait_dma2 semaphore(%run_scoped3A : memref<!tpu.dma_semaphore, #tpu.memory_space<semaphore_mem>>) src(%dma_wait3A_1292 : memref<128xf32, #tpu.memory_space<hbm>>) dst(%arg8 : memref<128xf32, #tpu.memory_space<vmem>>)
        tpu.yield
      }) : () -> ()
      "tpu.region"() ({
        %run_scoped3A = tpu.sem_alloc : memref<!tpu.dma_semaphore, #tpu.memory_space<semaphore_mem>>
        %dma_start3A_1289 = tpu.memref_slice %arg4[%add3A_11] : memref<65536xf32, #tpu.memory_space<hbm>> -> memref<128xf32, #tpu.memory_space<hbm>>
        %dma_start3A_1290 = tpu.memref_slice %arg4[%add3A_11] : memref<65536xf32, #tpu.memory_space<hbm>> -> memref<128xf32, #tpu.memory_space<hbm>>
        tpu.enqueue_dma source(%dma_start3A_1290 : memref<128xf32, #tpu.memory_space<hbm>>) target(%arg9 : memref<128xf32, #tpu.memory_space<vmem>>) target_semaphore(%run_scoped3A : memref<!tpu.dma_semaphore, #tpu.memory_space<semaphore_mem>>)
        %dma_wait3A_1291 = tpu.memref_slice %arg4[%add3A_11] : memref<65536xf32, #tpu.memory_space<hbm>> -> memref<128xf32, #tpu.memory_space<hbm>>
        %dma_wait3A_1292 = tpu.memref_slice %arg4[%add3A_11] : memref<65536xf32, #tpu.memory_space<hbm>> -> memref<128xf32, #tpu.memory_space<hbm>>
        tpu.wait_dma2 semaphore(%run_scoped3A : memref<!tpu.dma_semaphore, #tpu.memory_space<semaphore_mem>>) src(%dma_wait3A_1292 : memref<128xf32, #tpu.memory_space<hbm>>) dst(%arg9 : memref<128xf32, #tpu.memory_space<vmem>>)
        tpu.yield
      }) : () -> ()
      %dma_start3A = arith.constant 0 : i32
      %dma_start3A_12 = tpu.memref_slice %arg2[%add3A_11, %dma_start3A] : memref<65536x256xf32, #tpu.memory_space<hbm>> -> memref<128x256xf32, #tpu.memory_space<hbm>>
      %dma_start3A_13 = arith.constant 0 : i32
      %dma_start3A_14 = tpu.memref_slice %arg2[%add3A_11, %dma_start3A_13] : memref<65536x256xf32, #tpu.memory_space<hbm>> -> memref<128x256xf32, #tpu.memory_space<hbm>>
      tpu.enqueue_dma source(%dma_start3A_14 : memref<128x256xf32, #tpu.memory_space<hbm>>) target(%arg12 : memref<128x256xf32, #tpu.memory_space<vmem>>) target_semaphore(%arg16 : memref<!tpu.dma_semaphore, #tpu.memory_space<semaphore_mem>>)
      %get3A = arith.constant 0 : index
      %get3A_15 = tpu.vector_load %arg8[%get3A] {strides = array<i32>} : memref<128xf32, #tpu.memory_space<vmem>>, vector<16xf32>,
      %get3A_16 = vector.shape_cast %get3A_15 : vector<16xf32> to vector<16xf32>
      %jit3A = arith.constant 5.000000e+01 : f32
      %jit3A_17 = arith.constant 4.000000e+02 : f32
      %max3A = vector.broadcast %jit3A : f32 to vector<16xf32>
      %max3A_18 = arith.maximumf %max3A, %get3A_16 : vector<16xf32>
      %min3A = vector.broadcast %jit3A_17 : f32 to vector<16xf32>
      %min3A_19 = arith.minimumf %min3A, %max3A_18 : vector<16xf32>
      %sub3A = arith.constant 5.000000e+01 : f32
      %sub3A_20 = vector.broadcast %sub3A : f32 to vector<16xf32>
      %sub3A_21 = arith.subf %min3A_19, %sub3A_20 : vector<16xf32>
      %mul3A_22 = arith.constant 0.728571414 : f32
      %mul3A_23 = vector.broadcast %mul3A_22 : f32 to vector<16xf32>
      %mul3A_24 = arith.mulf %sub3A_21, %mul3A_23 : vector<16xf32>
      %add3A_25 = arith.constant 5.000000e-01 : f32
      %add3A_26 = vector.broadcast %add3A_25 : f32 to vector<16xf32>
      %add3A_27 = arith.addf %mul3A_24, %add3A_26 : vector<16xf32>
      %convert_element_type3A = arith.fptosi %add3A_27 : vector<16xf32> to vector<16xi32>
      %min3A_28 = arith.constant 255 : i32
      %min3A_29 = vector.broadcast %min3A_28 : i32 to vector<16xi32>
      %min3A_30 = arith.minsi %convert_element_type3A, %min3A_29 : vector<16xi32>
      %sub3A_31 = arith.constant 1 : i32
      %sub3A_32 = vector.broadcast %sub3A_31 : i32 to vector<16xi32>
      %sub3A_33 = arith.subi %min3A_30, %sub3A_32 : vector<16xi32>
      %max3A_34 = arith.constant 0 : i32
      %max3A_35 = vector.broadcast %max3A_34 : i32 to vector<16xi32>
      %max3A_36 = arith.maxsi %sub3A_33, %max3A_35 : vector<16xi32>
      %convert_element_type3A_37 = arith.sitofp %max3A_36 : vector<16xi32> to vector<16xf32>
      %div3A = arith.constant 2.550000e+02 : f32
      %div3A_38 = vector.broadcast %div3A : f32 to vector<16xf32>
      %div3A_39 = arith.divf %convert_element_type3A_37, %div3A_38 : vector<16xf32>
      %sub3A_40 = arith.constant 1.000000e+00 : f32
      %sub3A_41 = vector.broadcast %sub3A_40 : f32 to vector<16xf32>
      %sub3A_42 = arith.subf %sub3A_41, %div3A_39 : vector<16xf32>
      %mul3A_43 = arith.constant 5.000000e+01 : f32
      %mul3A_44 = vector.broadcast %mul3A_43 : f32 to vector<16xf32>
      %mul3A_45 = arith.mulf %mul3A_44, %sub3A_42 : vector<16xf32>
      %mul3A_46 = arith.constant 4.000000e+02 : f32
      %mul3A_47 = vector.broadcast %mul3A_46 : f32 to vector<16xf32>
      %mul3A_48 = arith.mulf %mul3A_47, %div3A_39 : vector<16xf32>
      %add3A_49 = arith.addf %mul3A_45, %mul3A_48 : vector<16xf32>
      %convert_element_type3A_50 = arith.sitofp %min3A_30 : vector<16xi32> to vector<16xf32>
      %div3A_51 = arith.constant 2.550000e+02 : f32
      %div3A_52 = vector.broadcast %div3A_51 : f32 to vector<16xf32>
      %div3A_53 = arith.divf %convert_element_type3A_50, %div3A_52 : vector<16xf32>
      %sub3A_54 = arith.constant 1.000000e+00 : f32
      %sub3A_55 = vector.broadcast %sub3A_54 : f32 to vector<16xf32>
      %sub3A_56 = arith.subf %sub3A_55, %div3A_53 : vector<16xf32>
      %mul3A_57 = arith.constant 5.000000e+01 : f32
      %mul3A_58 = vector.broadcast %mul3A_57 : f32 to vector<16xf32>
      %mul3A_59 = arith.mulf %mul3A_58, %sub3A_56 : vector<16xf32>
      %mul3A_60 = arith.constant 4.000000e+02 : f32
      %mul3A_61 = vector.broadcast %mul3A_60 : f32 to vector<16xf32>
      %mul3A_62 = arith.mulf %mul3A_61, %div3A_53 : vector<16xf32>
      %add3A_63 = arith.addf %mul3A_59, %mul3A_62 : vector<16xf32>
      %broadcast_in_dim3A = arith.constant 1 : i32
      %broadcast_in_dim3A_64 = vector.broadcast %broadcast_in_dim3A : i32 to vector<16xi32>
      %broadcast_in_dim3A_65 = arith.constant 0 : i32
      %broadcast_in_dim3A_66 = vector.broadcast %broadcast_in_dim3A_65 : i32 to vector<16xi32>
      %sub3A_67 = arith.constant 1 : i32
      %sub3A_68 = vector.broadcast %sub3A_67 : i32 to vector<16xi32>
      %sub3A_69 = arith.subi %min3A_30, %sub3A_68 : vector<16xi32>
      %lt3A = arith.cmpf olt, %add3A_49, %min3A_19 : vector<16xf32>
      %select_n3A = arith.select %lt3A, %broadcast_in_dim3A_64, %broadcast_in_dim3A_66 : vector<16xi1>, vector<16xi32>
      %add3A_70 = arith.addi %sub3A_69, %select_n3A : vector<16xi32>
      %lt3A_71 = arith.cmpf olt, %add3A_63, %min3A_19 : vector<16xf32>
      %select_n3A_72 = arith.select %lt3A_71, %broadcast_in_dim3A_64, %broadcast_in_dim3A_66 : vector<16xi1>, vector<16xi32>
      %add3A_73 = arith.addi %add3A_70, %select_n3A_72 : vector<16xi32>
      %jit3A_74 = arith.constant 0 : i32
      %jit3A_75 = arith.constant 255 : i32
      %max3A_76 = vector.broadcast %jit3A_74 : i32 to vector<16xi32>
      %max3A_77 = arith.maxsi %max3A_76, %add3A_73 : vector<16xi32>
      %min3A_78 = vector.broadcast %jit3A_75 : i32 to vector<16xi32>
      %min3A_79 = arith.minsi %min3A_78, %max3A_77 : vector<16xi32>
      %swap3A = arith.constant 0 : index
      %swap3A_80 = tpu.vector_load %arg10[%swap3A] {strides = array<i32>} : memref<128xi32, #tpu.memory_space<vmem>>, vector<16xi32>,
      %swap3A_81 = vector.shape_cast %swap3A_80 : vector<16xi32> to vector<16xi32>
      %swap3A_82 = vector.shape_cast %min3A_79 : vector<16xi32> to vector<16xi32>
      tpu.vector_store %arg10[%swap3A], %swap3A_82 {strides = array<i32>} : memref<128xi32, #tpu.memory_space<vmem>>, vector<16xi32>,
      %get3A_83 = arith.constant 0 : index
      %get3A_84 = tpu.vector_load %arg9[%get3A_83] {strides = array<i32>} : memref<128xf32, #tpu.memory_space<vmem>>, vector<16xf32>,
      %get3A_85 = vector.shape_cast %get3A_84 : vector<16xf32> to vector<16xf32>
      %jit3A_86 = arith.constant 0.000000e+00 : f32
      %jit3A_87 = arith.constant 1.000000e+00 : f32
      %max3A_88 = vector.broadcast %jit3A_86 : f32 to vector<16xf32>
      %max3A_89 = arith.maximumf %max3A_88, %get3A_85 : vector<16xf32>
      %min3A_90 = vector.broadcast %jit3A_87 : f32 to vector<16xf32>
      %min3A_91 = arith.minimumf %min3A_90, %max3A_89 : vector<16xf32>
      %sub3A_92 = arith.constant 0.000000e+00 : f32
      %sub3A_93 = vector.broadcast %sub3A_92 : f32 to vector<16xf32>
      %sub3A_94 = arith.subf %min3A_91, %sub3A_93 : vector<16xf32>
      %mul3A_95 = arith.constant 2.550000e+02 : f32
      %mul3A_96 = vector.broadcast %mul3A_95 : f32 to vector<16xf32>
      %mul3A_97 = arith.mulf %sub3A_94, %mul3A_96 : vector<16xf32>
      %add3A_98 = arith.constant 5.000000e-01 : f32
      %add3A_99 = vector.broadcast %add3A_98 : f32 to vector<16xf32>
      %add3A_100 = arith.addf %mul3A_97, %add3A_99 : vector<16xf32>
      %convert_element_type3A_101 = arith.fptosi %add3A_100 : vector<16xf32> to vector<16xi32>
      %min3A_102 = arith.constant 255 : i32
      %min3A_103 = vector.broadcast %min3A_102 : i32 to vector<16xi32>
      %min3A_104 = arith.minsi %convert_element_type3A_101, %min3A_103 : vector<16xi32>
      %sub3A_105 = arith.constant 1 : i32
      %sub3A_106 = vector.broadcast %sub3A_105 : i32 to vector<16xi32>
      %sub3A_107 = arith.subi %min3A_104, %sub3A_106 : vector<16xi32>
      %max3A_108 = arith.constant 0 : i32
      %max3A_109 = vector.broadcast %max3A_108 : i32 to vector<16xi32>
      %max3A_110 = arith.maxsi %sub3A_107, %max3A_109 : vector<16xi32>
      %convert_element_type3A_111 = arith.sitofp %max3A_110 : vector<16xi32> to vector<16xf32>
      %div3A_112 = arith.constant 2.550000e+02 : f32
      %div3A_113 = vector.broadcast %div3A_112 : f32 to vector<16xf32>
      %div3A_114 = arith.divf %convert_element_type3A_111, %div3A_113 : vector<16xf32>
      %sub3A_115 = arith.constant 1.000000e+00 : f32
      %sub3A_116 = vector.broadcast %sub3A_115 : f32 to vector<16xf32>
      %sub3A_117 = arith.subf %sub3A_116, %div3A_114 : vector<16xf32>
      %mul3A_118 = arith.constant 0.000000e+00 : f32
      %mul3A_119 = vector.broadcast %mul3A_118 : f32 to vector<16xf32>
      %mul3A_120 = arith.mulf %mul3A_119, %sub3A_117 : vector<16xf32>
      %mul3A_121 = arith.constant 1.000000e+00 : f32
      %mul3A_122 = vector.broadcast %mul3A_121 : f32 to vector<16xf32>
      %mul3A_123 = arith.mulf %mul3A_122, %div3A_114 : vector<16xf32>
      %add3A_124 = arith.addf %mul3A_120, %mul3A_123 : vector<16xf32>
      %convert_element_type3A_125 = arith.sitofp %min3A_104 : vector<16xi32> to vector<16xf32>
      %div3A_126 = arith.constant 2.550000e+02 : f32
      %div3A_127 = vector.broadcast %div3A_126 : f32 to vector<16xf32>
      %div3A_128 = arith.divf %convert_element_type3A_125, %div3A_127 : vector<16xf32>
      %sub3A_129 = arith.constant 1.000000e+00 : f32
      %sub3A_130 = vector.broadcast %sub3A_129 : f32 to vector<16xf32>
      %sub3A_131 = arith.subf %sub3A_130, %div3A_128 : vector<16xf32>
      %mul3A_132 = arith.constant 0.000000e+00 : f32
      %mul3A_133 = vector.broadcast %mul3A_132 : f32 to vector<16xf32>
      %mul3A_134 = arith.mulf %mul3A_133, %sub3A_131 : vector<16xf32>
      %mul3A_135 = arith.constant 1.000000e+00 : f32
      %mul3A_136 = vector.broadcast %mul3A_135 : f32 to vector<16xf32>
      %mul3A_137 = arith.mulf %mul3A_136, %div3A_128 : vector<16xf32>
      %add3A_138 = arith.addf %mul3A_134, %mul3A_137 : vector<16xf32>
      %broadcast_in_dim3A_139 = arith.constant 1 : i32
      %broadcast_in_dim3A_140 = vector.broadcast %broadcast_in_dim3A_139 : i32 to vector<16xi32>
      %broadcast_in_dim3A_141 = arith.constant 0 : i32
      %broadcast_in_dim3A_142 = vector.broadcast %broadcast_in_dim3A_141 : i32 to vector<16xi32>
      %sub3A_143 = arith.constant 1 : i32
      %sub3A_144 = vector.broadcast %sub3A_143 : i32 to vector<16xi32>
      %sub3A_145 = arith.subi %min3A_104, %sub3A_144 : vector<16xi32>
      %lt3A_146 = arith.cmpf olt, %add3A_124, %min3A_91 : vector<16xf32>
      %select_n3A_147 = arith.select %lt3A_146, %broadcast_in_dim3A_140, %broadcast_in_dim3A_142 : vector<16xi1>, vector<16xi32>
      %add3A_148 = arith.addi %sub3A_145, %select_n3A_147 : vector<16xi32>
      %lt3A_149 = arith.cmpf olt, %add3A_138, %min3A_91 : vector<16xf32>
      %select_n3A_150 = arith.select %lt3A_149, %broadcast_in_dim3A_140, %broadcast_in_dim3A_142 : vector<16xi1>, vector<16xi32>
      %add3A_151 = arith.addi %add3A_148, %select_n3A_150 : vector<16xi32>
      %jit3A_152 = arith.constant 0 : i32
      %jit3A_153 = arith.constant 255 : i32
      %max3A_154 = vector.broadcast %jit3A_152 : i32 to vector<16xi32>
      %max3A_155 = arith.maxsi %max3A_154, %add3A_151 : vector<16xi32>
      %min3A_156 = vector.broadcast %jit3A_153 : i32 to vector<16xi32>
      %min3A_157 = arith.minsi %min3A_156, %max3A_155 : vector<16xi32>
      %swap3A_158 = arith.constant 0 : index
      %swap3A_159 = tpu.vector_load %arg11[%swap3A_158] {strides = array<i32>} : memref<128xi32, #tpu.memory_space<vmem>>, vector<16xi32>,
      %swap3A_160 = vector.shape_cast %swap3A_159 : vector<16xi32> to vector<16xi32>
      %swap3A_161 = vector.shape_cast %min3A_157 : vector<16xi32> to vector<16xi32>
      tpu.vector_store %arg11[%swap3A_158], %swap3A_161 {strides = array<i32>} : memref<128xi32, #tpu.memory_space<vmem>>, vector<16xi32>,
      %get3A_162 = arith.constant 16 : index
      %get3A_163 = tpu.vector_load %arg8[%get3A_162] {strides = array<i32>} : memref<128xf32, #tpu.memory_space<vmem>>, vector<16xf32>,
      %get3A_164 = vector.shape_cast %get3A_163 : vector<16xf32> to vector<16xf32>
      %jit3A_165 = arith.constant 5.000000e+01 : f32
      %jit3A_166 = arith.constant 4.000000e+02 : f32
      %max3A_167 = vector.broadcast %jit3A_165 : f32 to vector<16xf32>
      %max3A_168 = arith.maximumf %max3A_167, %get3A_164 : vector<16xf32>
      %min3A_169 = vector.broadcast %jit3A_166 : f32 to vector<16xf32>
      %min3A_170 = arith.minimumf %min3A_169, %max3A_168 : vector<16xf32>
      %sub3A_171 = arith.constant 5.000000e+01 : f32
      %sub3A_172 = vector.broadcast %sub3A_171 : f32 to vector<16xf32>
      %sub3A_173 = arith.subf %min3A_170, %sub3A_172 : vector<16xf32>
      %mul3A_174 = arith.constant 0.728571414 : f32
      %mul3A_175 = vector.broadcast %mul3A_174 : f32 to vector<16xf32>
      %mul3A_176 = arith.mulf %sub3A_173, %mul3A_175 : vector<16xf32>
      %add3A_177 = arith.constant 5.000000e-01 : f32
      %add3A_178 = vector.broadcast %add3A_177 : f32 to vector<16xf32>
      %add3A_179 = arith.addf %mul3A_176, %add3A_178 : vector<16xf32>
      %convert_element_type3A_180 = arith.fptosi %add3A_179 : vector<16xf32> to vector<16xi32>
      %min3A_181 = arith.constant 255 : i32
      %min3A_182 = vector.broadcast %min3A_181 : i32 to vector<16xi32>
      %min3A_183 = arith.minsi %convert_element_type3A_180, %min3A_182 : vector<16xi32>
      %sub3A_184 = arith.constant 1 : i32
      %sub3A_185 = vector.broadcast %sub3A_184 : i32 to vector<16xi32>
      %sub3A_186 = arith.subi %min3A_183, %sub3A_185 : vector<16xi32>
      %max3A_187 = arith.constant 0 : i32
      %max3A_188 = vector.broadcast %max3A_187 : i32 to vector<16xi32>
      %max3A_189 = arith.maxsi %sub3A_186, %max3A_188 : vector<16xi32>
      %convert_element_type3A_190 = arith.sitofp %max3A_189 : vector<16xi32> to vector<16xf32>
      %div3A_191 = arith.constant 2.550000e+02 : f32
      %div3A_192 = vector.broadcast %div3A_191 : f32 to vector<16xf32>
      %div3A_193 = arith.divf %convert_element_type3A_190, %div3A_192 : vector<16xf32>
      %sub3A_194 = arith.constant 1.000000e+00 : f32
      %sub3A_195 = vector.broadcast %sub3A_194 : f32 to vector<16xf32>
      %sub3A_196 = arith.subf %sub3A_195, %div3A_193 : vector<16xf32>
      %mul3A_197 = arith.constant 5.000000e+01 : f32
      %mul3A_198 = vector.broadcast %mul3A_197 : f32 to vector<16xf32>
      %mul3A_199 = arith.mulf %mul3A_198, %sub3A_196 : vector<16xf32>
      %mul3A_200 = arith.constant 4.000000e+02 : f32
      %mul3A_201 = vector.broadcast %mul3A_200 : f32 to vector<16xf32>
      %mul3A_202 = arith.mulf %mul3A_201, %div3A_193 : vector<16xf32>
      %add3A_203 = arith.addf %mul3A_199, %mul3A_202 : vector<16xf32>
      %convert_element_type3A_204 = arith.sitofp %min3A_183 : vector<16xi32> to vector<16xf32>
      %div3A_205 = arith.constant 2.550000e+02 : f32
      %div3A_206 = vector.broadcast %div3A_205 : f32 to vector<16xf32>
      %div3A_207 = arith.divf %convert_element_type3A_204, %div3A_206 : vector<16xf32>
      %sub3A_208 = arith.constant 1.000000e+00 : f32
      %sub3A_209 = vector.broadcast %sub3A_208 : f32 to vector<16xf32>
      %sub3A_210 = arith.subf %sub3A_209, %div3A_207 : vector<16xf32>
      %mul3A_211 = arith.constant 5.000000e+01 : f32
      %mul3A_212 = vector.broadcast %mul3A_211 : f32 to vector<16xf32>
      %mul3A_213 = arith.mulf %mul3A_212, %sub3A_210 : vector<16xf32>
      %mul3A_214 = arith.constant 4.000000e+02 : f32
      %mul3A_215 = vector.broadcast %mul3A_214 : f32 to vector<16xf32>
      %mul3A_216 = arith.mulf %mul3A_215, %div3A_207 : vector<16xf32>
      %add3A_217 = arith.addf %mul3A_213, %mul3A_216 : vector<16xf32>
      %broadcast_in_dim3A_218 = arith.constant 1 : i32
      %broadcast_in_dim3A_219 = vector.broadcast %broadcast_in_dim3A_218 : i32 to vector<16xi32>
      %broadcast_in_dim3A_220 = arith.constant 0 : i32
      %broadcast_in_dim3A_221 = vector.broadcast %broadcast_in_dim3A_220 : i32 to vector<16xi32>
      %sub3A_222 = arith.constant 1 : i32
      %sub3A_223 = vector.broadcast %sub3A_222 : i32 to vector<16xi32>
      %sub3A_224 = arith.subi %min3A_183, %sub3A_223 : vector<16xi32>
      %lt3A_225 = arith.cmpf olt, %add3A_203, %min3A_170 : vector<16xf32>
      %select_n3A_226 = arith.select %lt3A_225, %broadcast_in_dim3A_219, %broadcast_in_dim3A_221 : vector<16xi1>, vector<16xi32>
      %add3A_227 = arith.addi %sub3A_224, %select_n3A_226 : vector<16xi32>
      %lt3A_228 = arith.cmpf olt, %add3A_217, %min3A_170 : vector<16xf32>
      %select_n3A_229 = arith.select %lt3A_228, %broadcast_in_dim3A_219, %broadcast_in_dim3A_221 : vector<16xi1>, vector<16xi32>
      %add3A_230 = arith.addi %add3A_227, %select_n3A_229 : vector<16xi32>
      %jit3A_231 = arith.constant 0 : i32
      %jit3A_232 = arith.constant 255 : i32
      %max3A_233 = vector.broadcast %jit3A_231 : i32 to vector<16xi32>
      %max3A_234 = arith.maxsi %max3A_233, %add3A_230 : vector<16xi32>
      %min3A_235 = vector.broadcast %jit3A_232 : i32 to vector<16xi32>
      %min3A_236 = arith.minsi %min3A_235, %max3A_234 : vector<16xi32>
      %swap3A_237 = arith.constant 16 : index
      %swap3A_238 = tpu.vector_load %arg10[%swap3A_237] {strides = array<i32>} : memref<128xi32, #tpu.memory_space<vmem>>, vector<16xi32>,
      %swap3A_239 = vector.shape_cast %swap3A_238 : vector<16xi32> to vector<16xi32>
      %swap3A_240 = vector.shape_cast %min3A_236 : vector<16xi32> to vector<16xi32>
      tpu.vector_store %arg10[%swap3A_237], %swap3A_240 {strides = array<i32>} : memref<128xi32, #tpu.memory_space<vmem>>, vector<16xi32>,
      %get3A_241 = arith.constant 16 : index
      %get3A_242 = tpu.vector_load %arg9[%get3A_241] {strides = array<i32>} : memref<128xf32, #tpu.memory_space<vmem>>, vector<16xf32>,
      %get3A_243 = vector.shape_cast %get3A_242 : vector<16xf32> to vector<16xf32>
      %jit3A_244 = arith.constant 0.000000e+00 : f32
      %jit3A_245 = arith.constant 1.000000e+00 : f32
      %max3A_246 = vector.broadcast %jit3A_244 : f32 to vector<16xf32>
      %max3A_247 = arith.maximumf %max3A_246, %get3A_243 : vector<16xf32>
      %min3A_248 = vector.broadcast %jit3A_245 : f32 to vector<16xf32>
      %min3A_249 = arith.minimumf %min3A_248, %max3A_247 : vector<16xf32>
      %sub3A_250 = arith.constant 0.000000e+00 : f32
      %sub3A_251 = vector.broadcast %sub3A_250 : f32 to vector<16xf32>
      %sub3A_252 = arith.subf %min3A_249, %sub3A_251 : vector<16xf32>
      %mul3A_253 = arith.constant 2.550000e+02 : f32
      %mul3A_254 = vector.broadcast %mul3A_253 : f32 to vector<16xf32>
      %mul3A_255 = arith.mulf %sub3A_252, %mul3A_254 : vector<16xf32>
      %add3A_256 = arith.constant 5.000000e-01 : f32
      %add3A_257 = vector.broadcast %add3A_256 : f32 to vector<16xf32>
      %add3A_258 = arith.addf %mul3A_255, %add3A_257 : vector<16xf32>
      %convert_element_type3A_259 = arith.fptosi %add3A_258 : vector<16xf32> to vector<16xi32>
      %min3A_260 = arith.constant 255 : i32
      %min3A_261 = vector.broadcast %min3A_260 : i32 to vector<16xi32>
      %min3A_262 = arith.minsi %convert_element_type3A_259, %min3A_261 : vector<16xi32>
      %sub3A_263 = arith.constant 1 : i32
      %sub3A_264 = vector.broadcast %sub3A_263 : i32 to vector<16xi32>
      %sub3A_265 = arith.subi %min3A_262, %sub3A_264 : vector<16xi32>
      %max3A_266 = arith.constant 0 : i32
      %max3A_267 = vector.broadcast %max3A_266 : i32 to vector<16xi32>
      %max3A_268 = arith.maxsi %sub3A_265, %max3A_267 : vector<16xi32>
      %convert_element_type3A_269 = arith.sitofp %max3A_268 : vector<16xi32> to vector<16xf32>
      %div3A_270 = arith.constant 2.550000e+02 : f32
      %div3A_271 = vector.broadcast %div3A_270 : f32 to vector<16xf32>
      %div3A_272 = arith.divf %convert_element_type3A_269, %div3A_271 : vector<16xf32>
      %sub3A_273 = arith.constant 1.000000e+00 : f32
      %sub3A_274 = vector.broadcast %sub3A_273 : f32 to vector<16xf32>
      %sub3A_275 = arith.subf %sub3A_274, %div3A_272 : vector<16xf32>
      %mul3A_276 = arith.constant 0.000000e+00 : f32
      %mul3A_277 = vector.broadcast %mul3A_276 : f32 to vector<16xf32>
      %mul3A_278 = arith.mulf %mul3A_277, %sub3A_275 : vector<16xf32>
      %mul3A_279 = arith.constant 1.000000e+00 : f32
      %mul3A_280 = vector.broadcast %mul3A_279 : f32 to vector<16xf32>
      %mul3A_281 = arith.mulf %mul3A_280, %div3A_272 : vector<16xf32>
      %add3A_282 = arith.addf %mul3A_278, %mul3A_281 : vector<16xf32>
      %convert_element_type3A_283 = arith.sitofp %min3A_262 : vector<16xi32> to vector<16xf32>
      %div3A_284 = arith.constant 2.550000e+02 : f32
      %div3A_285 = vector.broadcast %div3A_284 : f32 to vector<16xf32>
      %div3A_286 = arith.divf %convert_element_type3A_283, %div3A_285 : vector<16xf32>
      %sub3A_287 = arith.constant 1.000000e+00 : f32
      %sub3A_288 = vector.broadcast %sub3A_287 : f32 to vector<16xf32>
      %sub3A_289 = arith.subf %sub3A_288, %div3A_286 : vector<16xf32>
      %mul3A_290 = arith.constant 0.000000e+00 : f32
      %mul3A_291 = vector.broadcast %mul3A_290 : f32 to vector<16xf32>
      %mul3A_292 = arith.mulf %mul3A_291, %sub3A_289 : vector<16xf32>
      %mul3A_293 = arith.constant 1.000000e+00 : f32
      %mul3A_294 = vector.broadcast %mul3A_293 : f32 to vector<16xf32>
      %mul3A_295 = arith.mulf %mul3A_294, %div3A_286 : vector<16xf32>
      %add3A_296 = arith.addf %mul3A_292, %mul3A_295 : vector<16xf32>
      %broadcast_in_dim3A_297 = arith.constant 1 : i32
      %broadcast_in_dim3A_298 = vector.broadcast %broadcast_in_dim3A_297 : i32 to vector<16xi32>
      %broadcast_in_dim3A_299 = arith.constant 0 : i32
      %broadcast_in_dim3A_300 = vector.broadcast %broadcast_in_dim3A_299 : i32 to vector<16xi32>
      %sub3A_301 = arith.constant 1 : i32
      %sub3A_302 = vector.broadcast %sub3A_301 : i32 to vector<16xi32>
      %sub3A_303 = arith.subi %min3A_262, %sub3A_302 : vector<16xi32>
      %lt3A_304 = arith.cmpf olt, %add3A_282, %min3A_249 : vector<16xf32>
      %select_n3A_305 = arith.select %lt3A_304, %broadcast_in_dim3A_298, %broadcast_in_dim3A_300 : vector<16xi1>, vector<16xi32>
      %add3A_306 = arith.addi %sub3A_303, %select_n3A_305 : vector<16xi32>
      %lt3A_307 = arith.cmpf olt, %add3A_296, %min3A_249 : vector<16xf32>
      %select_n3A_308 = arith.select %lt3A_307, %broadcast_in_dim3A_298, %broadcast_in_dim3A_300 : vector<16xi1>, vector<16xi32>
      %add3A_309 = arith.addi %add3A_306, %select_n3A_308 : vector<16xi32>
      %jit3A_310 = arith.constant 0 : i32
      %jit3A_311 = arith.constant 255 : i32
      %max3A_312 = vector.broadcast %jit3A_310 : i32 to vector<16xi32>
      %max3A_313 = arith.maxsi %max3A_312, %add3A_309 : vector<16xi32>
      %min3A_314 = vector.broadcast %jit3A_311 : i32 to vector<16xi32>
      %min3A_315 = arith.minsi %min3A_314, %max3A_313 : vector<16xi32>
      %swap3A_316 = arith.constant 16 : index
      %swap3A_317 = tpu.vector_load %arg11[%swap3A_316] {strides = array<i32>} : memref<128xi32, #tpu.memory_space<vmem>>, vector<16xi32>,
      %swap3A_318 = vector.shape_cast %swap3A_317 : vector<16xi32> to vector<16xi32>
      %swap3A_319 = vector.shape_cast %min3A_315 : vector<16xi32> to vector<16xi32>
      tpu.vector_store %arg11[%swap3A_316], %swap3A_319 {strides = array<i32>} : memref<128xi32, #tpu.memory_space<vmem>>, vector<16xi32>,
      %get3A_320 = arith.constant 32 : index
      %get3A_321 = tpu.vector_load %arg8[%get3A_320] {strides = array<i32>} : memref<128xf32, #tpu.memory_space<vmem>>, vector<16xf32>,
      %get3A_322 = vector.shape_cast %get3A_321 : vector<16xf32> to vector<16xf32>
      %jit3A_323 = arith.constant 5.000000e+01 : f32
      %jit3A_324 = arith.constant 4.000000e+02 : f32
      %max3A_325 = vector.broadcast %jit3A_323 : f32 to vector<16xf32>
      %max3A_326 = arith.maximumf %max3A_325, %get3A_322 : vector<16xf32>
      %min3A_327 = vector.broadcast %jit3A_324 : f32 to vector<16xf32>
      %min3A_328 = arith.minimumf %min3A_327, %max3A_326 : vector<16xf32>
      %sub3A_329 = arith.constant 5.000000e+01 : f32
      %sub3A_330 = vector.broadcast %sub3A_329 : f32 to vector<16xf32>
      %sub3A_331 = arith.subf %min3A_328, %sub3A_330 : vector<16xf32>
      %mul3A_332 = arith.constant 0.728571414 : f32
      %mul3A_333 = vector.broadcast %mul3A_332 : f32 to vector<16xf32>
      %mul3A_334 = arith.mulf %sub3A_331, %mul3A_333 : vector<16xf32>
      %add3A_335 = arith.constant 5.000000e-01 : f32
      %add3A_336 = vector.broadcast %add3A_335 : f32 to vector<16xf32>
      %add3A_337 = arith.addf %mul3A_334, %add3A_336 : vector<16xf32>
      %convert_element_type3A_338 = arith.fptosi %add3A_337 : vector<16xf32> to vector<16xi32>
      %min3A_339 = arith.constant 255 : i32
      %min3A_340 = vector.broadcast %min3A_339 : i32 to vector<16xi32>
      %min3A_341 = arith.minsi %convert_element_type3A_338, %min3A_340 : vector<16xi32>
      %sub3A_342 = arith.constant 1 : i32
      %sub3A_343 = vector.broadcast %sub3A_342 : i32 to vector<16xi32>
      %sub3A_344 = arith.subi %min3A_341, %sub3A_343 : vector<16xi32>
      %max3A_345 = arith.constant 0 : i32
      %max3A_346 = vector.broadcast %max3A_345 : i32 to vector<16xi32>
      %max3A_347 = arith.maxsi %sub3A_344, %max3A_346 : vector<16xi32>
      %convert_element_type3A_348 = arith.sitofp %max3A_347 : vector<16xi32> to vector<16xf32>
      %div3A_349 = arith.constant 2.550000e+02 : f32
      %div3A_350 = vector.broadcast %div3A_349 : f32 to vector<16xf32>
      %div3A_351 = arith.divf %convert_element_type3A_348, %div3A_350 : vector<16xf32>
      %sub3A_352 = arith.constant 1.000000e+00 : f32
      %sub3A_353 = vector.broadcast %sub3A_352 : f32 to vector<16xf32>
      %sub3A_354 = arith.subf %sub3A_353, %div3A_351 : vector<16xf32>
      %mul3A_355 = arith.constant 5.000000e+01 : f32
      %mul3A_356 = vector.broadcast %mul3A_355 : f32 to vector<16xf32>
      %mul3A_357 = arith.mulf %mul3A_356, %sub3A_354 : vector<16xf32>
      %mul3A_358 = arith.constant 4.000000e+02 : f32
      %mul3A_359 = vector.broadcast %mul3A_358 : f32 to vector<16xf32>
      %mul3A_360 = arith.mulf %mul3A_359, %div3A_351 : vector<16xf32>
      %add3A_361 = arith.addf %mul3A_357, %mul3A_360 : vector<16xf32>
      %convert_element_type3A_362 = arith.sitofp %min3A_341 : vector<16xi32> to vector<16xf32>
      %div3A_363 = arith.constant 2.550000e+02 : f32
      %div3A_364 = vector.broadcast %div3A_363 : f32 to vector<16xf32>
      %div3A_365 = arith.divf %convert_element_type3A_362, %div3A_364 : vector<16xf32>
      %sub3A_366 = arith.constant 1.000000e+00 : f32
      %sub3A_367 = vector.broadcast %sub3A_366 : f32 to vector<16xf32>
      %sub3A_368 = arith.subf %sub3A_367, %div3A_365 : vector<16xf32>
      %mul3A_369 = arith.constant 5.000000e+01 : f32
      %mul3A_370 = vector.broadcast %mul3A_369 : f32 to vector<16xf32>
      %mul3A_371 = arith.mulf %mul3A_370, %sub3A_368 : vector<16xf32>
      %mul3A_372 = arith.constant 4.000000e+02 : f32
      %mul3A_373 = vector.broadcast %mul3A_372 : f32 to vector<16xf32>
      %mul3A_374 = arith.mulf %mul3A_373, %div3A_365 : vector<16xf32>
      %add3A_375 = arith.addf %mul3A_371, %mul3A_374 : vector<16xf32>
      %broadcast_in_dim3A_376 = arith.constant 1 : i32
      %broadcast_in_dim3A_377 = vector.broadcast %broadcast_in_dim3A_376 : i32 to vector<16xi32>
      %broadcast_in_dim3A_378 = arith.constant 0 : i32
      %broadcast_in_dim3A_379 = vector.broadcast %broadcast_in_dim3A_378 : i32 to vector<16xi32>
      %sub3A_380 = arith.constant 1 : i32
      %sub3A_381 = vector.broadcast %sub3A_380 : i32 to vector<16xi32>
      %sub3A_382 = arith.subi %min3A_341, %sub3A_381 : vector<16xi32>
      %lt3A_383 = arith.cmpf olt, %add3A_361, %min3A_328 : vector<16xf32>
      %select_n3A_384 = arith.select %lt3A_383, %broadcast_in_dim3A_377, %broadcast_in_dim3A_379 : vector<16xi1>, vector<16xi32>
      %add3A_385 = arith.addi %sub3A_382, %select_n3A_384 : vector<16xi32>
      %lt3A_386 = arith.cmpf olt, %add3A_375, %min3A_328 : vector<16xf32>
      %select_n3A_387 = arith.select %lt3A_386, %broadcast_in_dim3A_377, %broadcast_in_dim3A_379 : vector<16xi1>, vector<16xi32>
      %add3A_388 = arith.addi %add3A_385, %select_n3A_387 : vector<16xi32>
      %jit3A_389 = arith.constant 0 : i32
      %jit3A_390 = arith.constant 255 : i32
      %max3A_391 = vector.broadcast %jit3A_389 : i32 to vector<16xi32>
      %max3A_392 = arith.maxsi %max3A_391, %add3A_388 : vector<16xi32>
      %min3A_393 = vector.broadcast %jit3A_390 : i32 to vector<16xi32>
      %min3A_394 = arith.minsi %min3A_393, %max3A_392 : vector<16xi32>
      %swap3A_395 = arith.constant 32 : index
      %swap3A_396 = tpu.vector_load %arg10[%swap3A_395] {strides = array<i32>} : memref<128xi32, #tpu.memory_space<vmem>>, vector<16xi32>,
      %swap3A_397 = vector.shape_cast %swap3A_396 : vector<16xi32> to vector<16xi32>
      %swap3A_398 = vector.shape_cast %min3A_394 : vector<16xi32> to vector<16xi32>
      tpu.vector_store %arg10[%swap3A_395], %swap3A_398 {strides = array<i32>} : memref<128xi32, #tpu.memory_space<vmem>>, vector<16xi32>,
      %get3A_399 = arith.constant 32 : index
      %get3A_400 = tpu.vector_load %arg9[%get3A_399] {strides = array<i32>} : memref<128xf32, #tpu.memory_space<vmem>>, vector<16xf32>,
      %get3A_401 = vector.shape_cast %get3A_400 : vector<16xf32> to vector<16xf32>
      %jit3A_402 = arith.constant 0.000000e+00 : f32
      %jit3A_403 = arith.constant 1.000000e+00 : f32
      %max3A_404 = vector.broadcast %jit3A_402 : f32 to vector<16xf32>
      %max3A_405 = arith.maximumf %max3A_404, %get3A_401 : vector<16xf32>
      %min3A_406 = vector.broadcast %jit3A_403 : f32 to vector<16xf32>
      %min3A_407 = arith.minimumf %min3A_406, %max3A_405 : vector<16xf32>
      %sub3A_408 = arith.constant 0.000000e+00 : f32
      %sub3A_409 = vector.broadcast %sub3A_408 : f32 to vector<16xf32>
      %sub3A_410 = arith.subf %min3A_407, %sub3A_409 : vector<16xf32>
      %mul3A_411 = arith.constant 2.550000e+02 : f32
      %mul3A_412 = vector.broadcast %mul3A_411 : f32 to vector<16xf32>
      %mul3A_413 = arith.mulf %sub3A_410, %mul3A_412 : vector<16xf32>
      %add3A_414 = arith.constant 5.000000e-01 : f32
      %add3A_415 = vector.broadcast %add3A_414 : f32 to vector<16xf32>
      %add3A_416 = arith.addf %mul3A_413, %add3A_415 : vector<16xf32>
      %convert_element_type3A_417 = arith.fptosi %add3A_416 : vector<16xf32> to vector<16xi32>
      %min3A_418 = arith.constant 255 : i32
      %min3A_419 = vector.broadcast %min3A_418 : i32 to vector<16xi32>
      %min3A_420 = arith.minsi %convert_element_type3A_417, %min3A_419 : vector<16xi32>
      %sub3A_421 = arith.constant 1 : i32
      %sub3A_422 = vector.broadcast %sub3A_421 : i32 to vector<16xi32>
      %sub3A_423 = arith.subi %min3A_420, %sub3A_422 : vector<16xi32>
      %max3A_424 = arith.constant 0 : i32
      %max3A_425 = vector.broadcast %max3A_424 : i32 to vector<16xi32>
      %max3A_426 = arith.maxsi %sub3A_423, %max3A_425 : vector<16xi32>
      %convert_element_type3A_427 = arith.sitofp %max3A_426 : vector<16xi32> to vector<16xf32>
      %div3A_428 = arith.constant 2.550000e+02 : f32
      %div3A_429 = vector.broadcast %div3A_428 : f32 to vector<16xf32>
      %div3A_430 = arith.divf %convert_element_type3A_427, %div3A_429 : vector<16xf32>
      %sub3A_431 = arith.constant 1.000000e+00 : f32
      %sub3A_432 = vector.broadcast %sub3A_431 : f32 to vector<16xf32>
      %sub3A_433 = arith.subf %sub3A_432, %div3A_430 : vector<16xf32>
      %mul3A_434 = arith.constant 0.000000e+00 : f32
      %mul3A_435 = vector.broadcast %mul3A_434 : f32 to vector<16xf32>
      %mul3A_436 = arith.mulf %mul3A_435, %sub3A_433 : vector<16xf32>
      %mul3A_437 = arith.constant 1.000000e+00 : f32
      %mul3A_438 = vector.broadcast %mul3A_437 : f32 to vector<16xf32>
      %mul3A_439 = arith.mulf %mul3A_438, %div3A_430 : vector<16xf32>
      %add3A_440 = arith.addf %mul3A_436, %mul3A_439 : vector<16xf32>
      %convert_element_type3A_441 = arith.sitofp %min3A_420 : vector<16xi32> to vector<16xf32>
      %div3A_442 = arith.constant 2.550000e+02 : f32
      %div3A_443 = vector.broadcast %div3A_442 : f32 to vector<16xf32>
      %div3A_444 = arith.divf %convert_element_type3A_441, %div3A_443 : vector<16xf32>
      %sub3A_445 = arith.constant 1.000000e+00 : f32
      %sub3A_446 = vector.broadcast %sub3A_445 : f32 to vector<16xf32>
      %sub3A_447 = arith.subf %sub3A_446, %div3A_444 : vector<16xf32>
      %mul3A_448 = arith.constant 0.000000e+00 : f32
      %mul3A_449 = vector.broadcast %mul3A_448 : f32 to vector<16xf32>
      %mul3A_450 = arith.mulf %mul3A_449, %sub3A_447 : vector<16xf32>
      %mul3A_451 = arith.constant 1.000000e+00 : f32
      %mul3A_452 = vector.broadcast %mul3A_451 : f32 to vector<16xf32>
      %mul3A_453 = arith.mulf %mul3A_452, %div3A_444 : vector<16xf32>
      %add3A_454 = arith.addf %mul3A_450, %mul3A_453 : vector<16xf32>
      %broadcast_in_dim3A_455 = arith.constant 1 : i32
      %broadcast_in_dim3A_456 = vector.broadcast %broadcast_in_dim3A_455 : i32 to vector<16xi32>
      %broadcast_in_dim3A_457 = arith.constant 0 : i32
      %broadcast_in_dim3A_458 = vector.broadcast %broadcast_in_dim3A_457 : i32 to vector<16xi32>
      %sub3A_459 = arith.constant 1 : i32
      %sub3A_460 = vector.broadcast %sub3A_459 : i32 to vector<16xi32>
      %sub3A_461 = arith.subi %min3A_420, %sub3A_460 : vector<16xi32>
      %lt3A_462 = arith.cmpf olt, %add3A_440, %min3A_407 : vector<16xf32>
      %select_n3A_463 = arith.select %lt3A_462, %broadcast_in_dim3A_456, %broadcast_in_dim3A_458 : vector<16xi1>, vector<16xi32>
      %add3A_464 = arith.addi %sub3A_461, %select_n3A_463 : vector<16xi32>
      %lt3A_465 = arith.cmpf olt, %add3A_454, %min3A_407 : vector<16xf32>
      %select_n3A_466 = arith.select %lt3A_465, %broadcast_in_dim3A_456, %broadcast_in_dim3A_458 : vector<16xi1>, vector<16xi32>
      %add3A_467 = arith.addi %add3A_464, %select_n3A_466 : vector<16xi32>
      %jit3A_468 = arith.constant 0 : i32
      %jit3A_469 = arith.constant 255 : i32
      %max3A_470 = vector.broadcast %jit3A_468 : i32 to vector<16xi32>
      %max3A_471 = arith.maxsi %max3A_470, %add3A_467 : vector<16xi32>
      %min3A_472 = vector.broadcast %jit3A_469 : i32 to vector<16xi32>
      %min3A_473 = arith.minsi %min3A_472, %max3A_471 : vector<16xi32>
      %swap3A_474 = arith.constant 32 : index
      %swap3A_475 = tpu.vector_load %arg11[%swap3A_474] {strides = array<i32>} : memref<128xi32, #tpu.memory_space<vmem>>, vector<16xi32>,
      %swap3A_476 = vector.shape_cast %swap3A_475 : vector<16xi32> to vector<16xi32>
      %swap3A_477 = vector.shape_cast %min3A_473 : vector<16xi32> to vector<16xi32>
      tpu.vector_store %arg11[%swap3A_474], %swap3A_477 {strides = array<i32>} : memref<128xi32, #tpu.memory_space<vmem>>, vector<16xi32>,
      %get3A_478 = arith.constant 48 : index
      %get3A_479 = tpu.vector_load %arg8[%get3A_478] {strides = array<i32>} : memref<128xf32, #tpu.memory_space<vmem>>, vector<16xf32>,
      %get3A_480 = vector.shape_cast %get3A_479 : vector<16xf32> to vector<16xf32>
      %jit3A_481 = arith.constant 5.000000e+01 : f32
      %jit3A_482 = arith.constant 4.000000e+02 : f32
      %max3A_483 = vector.broadcast %jit3A_481 : f32 to vector<16xf32>
      %max3A_484 = arith.maximumf %max3A_483, %get3A_480 : vector<16xf32>
      %min3A_485 = vector.broadcast %jit3A_482 : f32 to vector<16xf32>
      %min3A_486 = arith.minimumf %min3A_485, %max3A_484 : vector<16xf32>
      %sub3A_487 = arith.constant 5.000000e+01 : f32
      %sub3A_488 = vector.broadcast %sub3A_487 : f32 to vector<16xf32>
      %sub3A_489 = arith.subf %min3A_486, %sub3A_488 : vector<16xf32>
      %mul3A_490 = arith.constant 0.728571414 : f32
      %mul3A_491 = vector.broadcast %mul3A_490 : f32 to vector<16xf32>
      %mul3A_492 = arith.mulf %sub3A_489, %mul3A_491 : vector<16xf32>
      %add3A_493 = arith.constant 5.000000e-01 : f32
      %add3A_494 = vector.broadcast %add3A_493 : f32 to vector<16xf32>
      %add3A_495 = arith.addf %mul3A_492, %add3A_494 : vector<16xf32>
      %convert_element_type3A_496 = arith.fptosi %add3A_495 : vector<16xf32> to vector<16xi32>
      %min3A_497 = arith.constant 255 : i32
      %min3A_498 = vector.broadcast %min3A_497 : i32 to vector<16xi32>
      %min3A_499 = arith.minsi %convert_element_type3A_496, %min3A_498 : vector<16xi32>
      %sub3A_500 = arith.constant 1 : i32
      %sub3A_501 = vector.broadcast %sub3A_500 : i32 to vector<16xi32>
      %sub3A_502 = arith.subi %min3A_499, %sub3A_501 : vector<16xi32>
      %max3A_503 = arith.constant 0 : i32
      %max3A_504 = vector.broadcast %max3A_503 : i32 to vector<16xi32>
      %max3A_505 = arith.maxsi %sub3A_502, %max3A_504 : vector<16xi32>
      %convert_element_type3A_506 = arith.sitofp %max3A_505 : vector<16xi32> to vector<16xf32>
      %div3A_507 = arith.constant 2.550000e+02 : f32
      %div3A_508 = vector.broadcast %div3A_507 : f32 to vector<16xf32>
      %div3A_509 = arith.divf %convert_element_type3A_506, %div3A_508 : vector<16xf32>
      %sub3A_510 = arith.constant 1.000000e+00 : f32
      %sub3A_511 = vector.broadcast %sub3A_510 : f32 to vector<16xf32>
      %sub3A_512 = arith.subf %sub3A_511, %div3A_509 : vector<16xf32>
      %mul3A_513 = arith.constant 5.000000e+01 : f32
      %mul3A_514 = vector.broadcast %mul3A_513 : f32 to vector<16xf32>
      %mul3A_515 = arith.mulf %mul3A_514, %sub3A_512 : vector<16xf32>
      %mul3A_516 = arith.constant 4.000000e+02 : f32
      %mul3A_517 = vector.broadcast %mul3A_516 : f32 to vector<16xf32>
      %mul3A_518 = arith.mulf %mul3A_517, %div3A_509 : vector<16xf32>
      %add3A_519 = arith.addf %mul3A_515, %mul3A_518 : vector<16xf32>
      %convert_element_type3A_520 = arith.sitofp %min3A_499 : vector<16xi32> to vector<16xf32>
      %div3A_521 = arith.constant 2.550000e+02 : f32
      %div3A_522 = vector.broadcast %div3A_521 : f32 to vector<16xf32>
      %div3A_523 = arith.divf %convert_element_type3A_520, %div3A_522 : vector<16xf32>
      %sub3A_524 = arith.constant 1.000000e+00 : f32
      %sub3A_525 = vector.broadcast %sub3A_524 : f32 to vector<16xf32>
      %sub3A_526 = arith.subf %sub3A_525, %div3A_523 : vector<16xf32>
      %mul3A_527 = arith.constant 5.000000e+01 : f32
      %mul3A_528 = vector.broadcast %mul3A_527 : f32 to vector<16xf32>
      %mul3A_529 = arith.mulf %mul3A_528, %sub3A_526 : vector<16xf32>
      %mul3A_530 = arith.constant 4.000000e+02 : f32
      %mul3A_531 = vector.broadcast %mul3A_530 : f32 to vector<16xf32>
      %mul3A_532 = arith.mulf %mul3A_531, %div3A_523 : vector<16xf32>
      %add3A_533 = arith.addf %mul3A_529, %mul3A_532 : vector<16xf32>
      %broadcast_in_dim3A_534 = arith.constant 1 : i32
      %broadcast_in_dim3A_535 = vector.broadcast %broadcast_in_dim3A_534 : i32 to vector<16xi32>
      %broadcast_in_dim3A_536 = arith.constant 0 : i32
      %broadcast_in_dim3A_537 = vector.broadcast %broadcast_in_dim3A_536 : i32 to vector<16xi32>
      %sub3A_538 = arith.constant 1 : i32
      %sub3A_539 = vector.broadcast %sub3A_538 : i32 to vector<16xi32>
      %sub3A_540 = arith.subi %min3A_499, %sub3A_539 : vector<16xi32>
      %lt3A_541 = arith.cmpf olt, %add3A_519, %min3A_486 : vector<16xf32>
      %select_n3A_542 = arith.select %lt3A_541, %broadcast_in_dim3A_535, %broadcast_in_dim3A_537 : vector<16xi1>, vector<16xi32>
      %add3A_543 = arith.addi %sub3A_540, %select_n3A_542 : vector<16xi32>
      %lt3A_544 = arith.cmpf olt, %add3A_533, %min3A_486 : vector<16xf32>
      %select_n3A_545 = arith.select %lt3A_544, %broadcast_in_dim3A_535, %broadcast_in_dim3A_537 : vector<16xi1>, vector<16xi32>
      %add3A_546 = arith.addi %add3A_543, %select_n3A_545 : vector<16xi32>
      %jit3A_547 = arith.constant 0 : i32
      %jit3A_548 = arith.constant 255 : i32
      %max3A_549 = vector.broadcast %jit3A_547 : i32 to vector<16xi32>
      %max3A_550 = arith.maxsi %max3A_549, %add3A_546 : vector<16xi32>
      %min3A_551 = vector.broadcast %jit3A_548 : i32 to vector<16xi32>
      %min3A_552 = arith.minsi %min3A_551, %max3A_550 : vector<16xi32>
      %swap3A_553 = arith.constant 48 : index
      %swap3A_554 = tpu.vector_load %arg10[%swap3A_553] {strides = array<i32>} : memref<128xi32, #tpu.memory_space<vmem>>, vector<16xi32>,
      %swap3A_555 = vector.shape_cast %swap3A_554 : vector<16xi32> to vector<16xi32>
      %swap3A_556 = vector.shape_cast %min3A_552 : vector<16xi32> to vector<16xi32>
      tpu.vector_store %arg10[%swap3A_553], %swap3A_556 {strides = array<i32>} : memref<128xi32, #tpu.memory_space<vmem>>, vector<16xi32>,
      %get3A_557 = arith.constant 48 : index
      %get3A_558 = tpu.vector_load %arg9[%get3A_557] {strides = array<i32>} : memref<128xf32, #tpu.memory_space<vmem>>, vector<16xf32>,
      %get3A_559 = vector.shape_cast %get3A_558 : vector<16xf32> to vector<16xf32>
      %jit3A_560 = arith.constant 0.000000e+00 : f32
      %jit3A_561 = arith.constant 1.000000e+00 : f32
      %max3A_562 = vector.broadcast %jit3A_560 : f32 to vector<16xf32>
      %max3A_563 = arith.maximumf %max3A_562, %get3A_559 : vector<16xf32>
      %min3A_564 = vector.broadcast %jit3A_561 : f32 to vector<16xf32>
      %min3A_565 = arith.minimumf %min3A_564, %max3A_563 : vector<16xf32>
      %sub3A_566 = arith.constant 0.000000e+00 : f32
      %sub3A_567 = vector.broadcast %sub3A_566 : f32 to vector<16xf32>
      %sub3A_568 = arith.subf %min3A_565, %sub3A_567 : vector<16xf32>
      %mul3A_569 = arith.constant 2.550000e+02 : f32
      %mul3A_570 = vector.broadcast %mul3A_569 : f32 to vector<16xf32>
      %mul3A_571 = arith.mulf %sub3A_568, %mul3A_570 : vector<16xf32>
      %add3A_572 = arith.constant 5.000000e-01 : f32
      %add3A_573 = vector.broadcast %add3A_572 : f32 to vector<16xf32>
      %add3A_574 = arith.addf %mul3A_571, %add3A_573 : vector<16xf32>
      %convert_element_type3A_575 = arith.fptosi %add3A_574 : vector<16xf32> to vector<16xi32>
      %min3A_576 = arith.constant 255 : i32
      %min3A_577 = vector.broadcast %min3A_576 : i32 to vector<16xi32>
      %min3A_578 = arith.minsi %convert_element_type3A_575, %min3A_577 : vector<16xi32>
      %sub3A_579 = arith.constant 1 : i32
      %sub3A_580 = vector.broadcast %sub3A_579 : i32 to vector<16xi32>
      %sub3A_581 = arith.subi %min3A_578, %sub3A_580 : vector<16xi32>
      %max3A_582 = arith.constant 0 : i32
      %max3A_583 = vector.broadcast %max3A_582 : i32 to vector<16xi32>
      %max3A_584 = arith.maxsi %sub3A_581, %max3A_583 : vector<16xi32>
      %convert_element_type3A_585 = arith.sitofp %max3A_584 : vector<16xi32> to vector<16xf32>
      %div3A_586 = arith.constant 2.550000e+02 : f32
      %div3A_587 = vector.broadcast %div3A_586 : f32 to vector<16xf32>
      %div3A_588 = arith.divf %convert_element_type3A_585, %div3A_587 : vector<16xf32>
      %sub3A_589 = arith.constant 1.000000e+00 : f32
      %sub3A_590 = vector.broadcast %sub3A_589 : f32 to vector<16xf32>
      %sub3A_591 = arith.subf %sub3A_590, %div3A_588 : vector<16xf32>
      %mul3A_592 = arith.constant 0.000000e+00 : f32
      %mul3A_593 = vector.broadcast %mul3A_592 : f32 to vector<16xf32>
      %mul3A_594 = arith.mulf %mul3A_593, %sub3A_591 : vector<16xf32>
      %mul3A_595 = arith.constant 1.000000e+00 : f32
      %mul3A_596 = vector.broadcast %mul3A_595 : f32 to vector<16xf32>
      %mul3A_597 = arith.mulf %mul3A_596, %div3A_588 : vector<16xf32>
      %add3A_598 = arith.addf %mul3A_594, %mul3A_597 : vector<16xf32>
      %convert_element_type3A_599 = arith.sitofp %min3A_578 : vector<16xi32> to vector<16xf32>
      %div3A_600 = arith.constant 2.550000e+02 : f32
      %div3A_601 = vector.broadcast %div3A_600 : f32 to vector<16xf32>
      %div3A_602 = arith.divf %convert_element_type3A_599, %div3A_601 : vector<16xf32>
      %sub3A_603 = arith.constant 1.000000e+00 : f32
      %sub3A_604 = vector.broadcast %sub3A_603 : f32 to vector<16xf32>
      %sub3A_605 = arith.subf %sub3A_604, %div3A_602 : vector<16xf32>
      %mul3A_606 = arith.constant 0.000000e+00 : f32
      %mul3A_607 = vector.broadcast %mul3A_606 : f32 to vector<16xf32>
      %mul3A_608 = arith.mulf %mul3A_607, %sub3A_605 : vector<16xf32>
      %mul3A_609 = arith.constant 1.000000e+00 : f32
      %mul3A_610 = vector.broadcast %mul3A_609 : f32 to vector<16xf32>
      %mul3A_611 = arith.mulf %mul3A_610, %div3A_602 : vector<16xf32>
      %add3A_612 = arith.addf %mul3A_608, %mul3A_611 : vector<16xf32>
      %broadcast_in_dim3A_613 = arith.constant 1 : i32
      %broadcast_in_dim3A_614 = vector.broadcast %broadcast_in_dim3A_613 : i32 to vector<16xi32>
      %broadcast_in_dim3A_615 = arith.constant 0 : i32
      %broadcast_in_dim3A_616 = vector.broadcast %broadcast_in_dim3A_615 : i32 to vector<16xi32>
      %sub3A_617 = arith.constant 1 : i32
      %sub3A_618 = vector.broadcast %sub3A_617 : i32 to vector<16xi32>
      %sub3A_619 = arith.subi %min3A_578, %sub3A_618 : vector<16xi32>
      %lt3A_620 = arith.cmpf olt, %add3A_598, %min3A_565 : vector<16xf32>
      %select_n3A_621 = arith.select %lt3A_620, %broadcast_in_dim3A_614, %broadcast_in_dim3A_616 : vector<16xi1>, vector<16xi32>
      %add3A_622 = arith.addi %sub3A_619, %select_n3A_621 : vector<16xi32>
      %lt3A_623 = arith.cmpf olt, %add3A_612, %min3A_565 : vector<16xf32>
      %select_n3A_624 = arith.select %lt3A_623, %broadcast_in_dim3A_614, %broadcast_in_dim3A_616 : vector<16xi1>, vector<16xi32>
      %add3A_625 = arith.addi %add3A_622, %select_n3A_624 : vector<16xi32>
      %jit3A_626 = arith.constant 0 : i32
      %jit3A_627 = arith.constant 255 : i32
      %max3A_628 = vector.broadcast %jit3A_626 : i32 to vector<16xi32>
      %max3A_629 = arith.maxsi %max3A_628, %add3A_625 : vector<16xi32>
      %min3A_630 = vector.broadcast %jit3A_627 : i32 to vector<16xi32>
      %min3A_631 = arith.minsi %min3A_630, %max3A_629 : vector<16xi32>
      %swap3A_632 = arith.constant 48 : index
      %swap3A_633 = tpu.vector_load %arg11[%swap3A_632] {strides = array<i32>} : memref<128xi32, #tpu.memory_space<vmem>>, vector<16xi32>,
      %swap3A_634 = vector.shape_cast %swap3A_633 : vector<16xi32> to vector<16xi32>
      %swap3A_635 = vector.shape_cast %min3A_631 : vector<16xi32> to vector<16xi32>
      tpu.vector_store %arg11[%swap3A_632], %swap3A_635 {strides = array<i32>} : memref<128xi32, #tpu.memory_space<vmem>>, vector<16xi32>,
      %get3A_636 = arith.constant 64 : index
      %get3A_637 = tpu.vector_load %arg8[%get3A_636] {strides = array<i32>} : memref<128xf32, #tpu.memory_space<vmem>>, vector<16xf32>,
      %get3A_638 = vector.shape_cast %get3A_637 : vector<16xf32> to vector<16xf32>
      %jit3A_639 = arith.constant 5.000000e+01 : f32
      %jit3A_640 = arith.constant 4.000000e+02 : f32
      %max3A_641 = vector.broadcast %jit3A_639 : f32 to vector<16xf32>
      %max3A_642 = arith.maximumf %max3A_641, %get3A_638 : vector<16xf32>
      %min3A_643 = vector.broadcast %jit3A_640 : f32 to vector<16xf32>
      %min3A_644 = arith.minimumf %min3A_643, %max3A_642 : vector<16xf32>
      %sub3A_645 = arith.constant 5.000000e+01 : f32
      %sub3A_646 = vector.broadcast %sub3A_645 : f32 to vector<16xf32>
      %sub3A_647 = arith.subf %min3A_644, %sub3A_646 : vector<16xf32>
      %mul3A_648 = arith.constant 0.728571414 : f32
      %mul3A_649 = vector.broadcast %mul3A_648 : f32 to vector<16xf32>
      %mul3A_650 = arith.mulf %sub3A_647, %mul3A_649 : vector<16xf32>
      %add3A_651 = arith.constant 5.000000e-01 : f32
      %add3A_652 = vector.broadcast %add3A_651 : f32 to vector<16xf32>
      %add3A_653 = arith.addf %mul3A_650, %add3A_652 : vector<16xf32>
      %convert_element_type3A_654 = arith.fptosi %add3A_653 : vector<16xf32> to vector<16xi32>
      %min3A_655 = arith.constant 255 : i32
      %min3A_656 = vector.broadcast %min3A_655 : i32 to vector<16xi32>
      %min3A_657 = arith.minsi %convert_element_type3A_654, %min3A_656 : vector<16xi32>
      %sub3A_658 = arith.constant 1 : i32
      %sub3A_659 = vector.broadcast %sub3A_658 : i32 to vector<16xi32>
      %sub3A_660 = arith.subi %min3A_657, %sub3A_659 : vector<16xi32>
      %max3A_661 = arith.constant 0 : i32
      %max3A_662 = vector.broadcast %max3A_661 : i32 to vector<16xi32>
      %max3A_663 = arith.maxsi %sub3A_660, %max3A_662 : vector<16xi32>
      %convert_element_type3A_664 = arith.sitofp %max3A_663 : vector<16xi32> to vector<16xf32>
      %div3A_665 = arith.constant 2.550000e+02 : f32
      %div3A_666 = vector.broadcast %div3A_665 : f32 to vector<16xf32>
      %div3A_667 = arith.divf %convert_element_type3A_664, %div3A_666 : vector<16xf32>
      %sub3A_668 = arith.constant 1.000000e+00 : f32
      %sub3A_669 = vector.broadcast %sub3A_668 : f32 to vector<16xf32>
      %sub3A_670 = arith.subf %sub3A_669, %div3A_667 : vector<16xf32>
      %mul3A_671 = arith.constant 5.000000e+01 : f32
      %mul3A_672 = vector.broadcast %mul3A_671 : f32 to vector<16xf32>
      %mul3A_673 = arith.mulf %mul3A_672, %sub3A_670 : vector<16xf32>
      %mul3A_674 = arith.constant 4.000000e+02 : f32
      %mul3A_675 = vector.broadcast %mul3A_674 : f32 to vector<16xf32>
      %mul3A_676 = arith.mulf %mul3A_675, %div3A_667 : vector<16xf32>
      %add3A_677 = arith.addf %mul3A_673, %mul3A_676 : vector<16xf32>
      %convert_element_type3A_678 = arith.sitofp %min3A_657 : vector<16xi32> to vector<16xf32>
      %div3A_679 = arith.constant 2.550000e+02 : f32
      %div3A_680 = vector.broadcast %div3A_679 : f32 to vector<16xf32>
      %div3A_681 = arith.divf %convert_element_type3A_678, %div3A_680 : vector<16xf32>
      %sub3A_682 = arith.constant 1.000000e+00 : f32
      %sub3A_683 = vector.broadcast %sub3A_682 : f32 to vector<16xf32>
      %sub3A_684 = arith.subf %sub3A_683, %div3A_681 : vector<16xf32>
      %mul3A_685 = arith.constant 5.000000e+01 : f32
      %mul3A_686 = vector.broadcast %mul3A_685 : f32 to vector<16xf32>
      %mul3A_687 = arith.mulf %mul3A_686, %sub3A_684 : vector<16xf32>
      %mul3A_688 = arith.constant 4.000000e+02 : f32
      %mul3A_689 = vector.broadcast %mul3A_688 : f32 to vector<16xf32>
      %mul3A_690 = arith.mulf %mul3A_689, %div3A_681 : vector<16xf32>
      %add3A_691 = arith.addf %mul3A_687, %mul3A_690 : vector<16xf32>
      %broadcast_in_dim3A_692 = arith.constant 1 : i32
      %broadcast_in_dim3A_693 = vector.broadcast %broadcast_in_dim3A_692 : i32 to vector<16xi32>
      %broadcast_in_dim3A_694 = arith.constant 0 : i32
      %broadcast_in_dim3A_695 = vector.broadcast %broadcast_in_dim3A_694 : i32 to vector<16xi32>
      %sub3A_696 = arith.constant 1 : i32
      %sub3A_697 = vector.broadcast %sub3A_696 : i32 to vector<16xi32>
      %sub3A_698 = arith.subi %min3A_657, %sub3A_697 : vector<16xi32>
      %lt3A_699 = arith.cmpf olt, %add3A_677, %min3A_644 : vector<16xf32>
      %select_n3A_700 = arith.select %lt3A_699, %broadcast_in_dim3A_693, %broadcast_in_dim3A_695 : vector<16xi1>, vector<16xi32>
      %add3A_701 = arith.addi %sub3A_698, %select_n3A_700 : vector<16xi32>
      %lt3A_702 = arith.cmpf olt, %add3A_691, %min3A_644 : vector<16xf32>
      %select_n3A_703 = arith.select %lt3A_702, %broadcast_in_dim3A_693, %broadcast_in_dim3A_695 : vector<16xi1>, vector<16xi32>
      %add3A_704 = arith.addi %add3A_701, %select_n3A_703 : vector<16xi32>
      %jit3A_705 = arith.constant 0 : i32
      %jit3A_706 = arith.constant 255 : i32
      %max3A_707 = vector.broadcast %jit3A_705 : i32 to vector<16xi32>
      %max3A_708 = arith.maxsi %max3A_707, %add3A_704 : vector<16xi32>
      %min3A_709 = vector.broadcast %jit3A_706 : i32 to vector<16xi32>
      %min3A_710 = arith.minsi %min3A_709, %max3A_708 : vector<16xi32>
      %swap3A_711 = arith.constant 64 : index
      %swap3A_712 = tpu.vector_load %arg10[%swap3A_711] {strides = array<i32>} : memref<128xi32, #tpu.memory_space<vmem>>, vector<16xi32>,
      %swap3A_713 = vector.shape_cast %swap3A_712 : vector<16xi32> to vector<16xi32>
      %swap3A_714 = vector.shape_cast %min3A_710 : vector<16xi32> to vector<16xi32>
      tpu.vector_store %arg10[%swap3A_711], %swap3A_714 {strides = array<i32>} : memref<128xi32, #tpu.memory_space<vmem>>, vector<16xi32>,
      %get3A_715 = arith.constant 64 : index
      %get3A_716 = tpu.vector_load %arg9[%get3A_715] {strides = array<i32>} : memref<128xf32, #tpu.memory_space<vmem>>, vector<16xf32>,
      %get3A_717 = vector.shape_cast %get3A_716 : vector<16xf32> to vector<16xf32>
      %jit3A_718 = arith.constant 0.000000e+00 : f32
      %jit3A_719 = arith.constant 1.000000e+00 : f32
      %max3A_720 = vector.broadcast %jit3A_718 : f32 to vector<16xf32>
      %max3A_721 = arith.maximumf %max3A_720, %get3A_717 : vector<16xf32>
      %min3A_722 = vector.broadcast %jit3A_719 : f32 to vector<16xf32>
      %min3A_723 = arith.minimumf %min3A_722, %max3A_721 : vector<16xf32>
      %sub3A_724 = arith.constant 0.000000e+00 : f32
      %sub3A_725 = vector.broadcast %sub3A_724 : f32 to vector<16xf32>
      %sub3A_726 = arith.subf %min3A_723, %sub3A_725 : vector<16xf32>
      %mul3A_727 = arith.constant 2.550000e+02 : f32
      %mul3A_728 = vector.broadcast %mul3A_727 : f32 to vector<16xf32>
      %mul3A_729 = arith.mulf %sub3A_726, %mul3A_728 : vector<16xf32>
      %add3A_730 = arith.constant 5.000000e-01 : f32
      %add3A_731 = vector.broadcast %add3A_730 : f32 to vector<16xf32>
      %add3A_732 = arith.addf %mul3A_729, %add3A_731 : vector<16xf32>
      %convert_element_type3A_733 = arith.fptosi %add3A_732 : vector<16xf32> to vector<16xi32>
      %min3A_734 = arith.constant 255 : i32
      %min3A_735 = vector.broadcast %min3A_734 : i32 to vector<16xi32>
      %min3A_736 = arith.minsi %convert_element_type3A_733, %min3A_735 : vector<16xi32>
      %sub3A_737 = arith.constant 1 : i32
      %sub3A_738 = vector.broadcast %sub3A_737 : i32 to vector<16xi32>
      %sub3A_739 = arith.subi %min3A_736, %sub3A_738 : vector<16xi32>
      %max3A_740 = arith.constant 0 : i32
      %max3A_741 = vector.broadcast %max3A_740 : i32 to vector<16xi32>
      %max3A_742 = arith.maxsi %sub3A_739, %max3A_741 : vector<16xi32>
      %convert_element_type3A_743 = arith.sitofp %max3A_742 : vector<16xi32> to vector<16xf32>
      %div3A_744 = arith.constant 2.550000e+02 : f32
      %div3A_745 = vector.broadcast %div3A_744 : f32 to vector<16xf32>
      %div3A_746 = arith.divf %convert_element_type3A_743, %div3A_745 : vector<16xf32>
      %sub3A_747 = arith.constant 1.000000e+00 : f32
      %sub3A_748 = vector.broadcast %sub3A_747 : f32 to vector<16xf32>
      %sub3A_749 = arith.subf %sub3A_748, %div3A_746 : vector<16xf32>
      %mul3A_750 = arith.constant 0.000000e+00 : f32
      %mul3A_751 = vector.broadcast %mul3A_750 : f32 to vector<16xf32>
      %mul3A_752 = arith.mulf %mul3A_751, %sub3A_749 : vector<16xf32>
      %mul3A_753 = arith.constant 1.000000e+00 : f32
      %mul3A_754 = vector.broadcast %mul3A_753 : f32 to vector<16xf32>
      %mul3A_755 = arith.mulf %mul3A_754, %div3A_746 : vector<16xf32>
      %add3A_756 = arith.addf %mul3A_752, %mul3A_755 : vector<16xf32>
      %convert_element_type3A_757 = arith.sitofp %min3A_736 : vector<16xi32> to vector<16xf32>
      %div3A_758 = arith.constant 2.550000e+02 : f32
      %div3A_759 = vector.broadcast %div3A_758 : f32 to vector<16xf32>
      %div3A_760 = arith.divf %convert_element_type3A_757, %div3A_759 : vector<16xf32>
      %sub3A_761 = arith.constant 1.000000e+00 : f32
      %sub3A_762 = vector.broadcast %sub3A_761 : f32 to vector<16xf32>
      %sub3A_763 = arith.subf %sub3A_762, %div3A_760 : vector<16xf32>
      %mul3A_764 = arith.constant 0.000000e+00 : f32
      %mul3A_765 = vector.broadcast %mul3A_764 : f32 to vector<16xf32>
      %mul3A_766 = arith.mulf %mul3A_765, %sub3A_763 : vector<16xf32>
      %mul3A_767 = arith.constant 1.000000e+00 : f32
      %mul3A_768 = vector.broadcast %mul3A_767 : f32 to vector<16xf32>
      %mul3A_769 = arith.mulf %mul3A_768, %div3A_760 : vector<16xf32>
      %add3A_770 = arith.addf %mul3A_766, %mul3A_769 : vector<16xf32>
      %broadcast_in_dim3A_771 = arith.constant 1 : i32
      %broadcast_in_dim3A_772 = vector.broadcast %broadcast_in_dim3A_771 : i32 to vector<16xi32>
      %broadcast_in_dim3A_773 = arith.constant 0 : i32
      %broadcast_in_dim3A_774 = vector.broadcast %broadcast_in_dim3A_773 : i32 to vector<16xi32>
      %sub3A_775 = arith.constant 1 : i32
      %sub3A_776 = vector.broadcast %sub3A_775 : i32 to vector<16xi32>
      %sub3A_777 = arith.subi %min3A_736, %sub3A_776 : vector<16xi32>
      %lt3A_778 = arith.cmpf olt, %add3A_756, %min3A_723 : vector<16xf32>
      %select_n3A_779 = arith.select %lt3A_778, %broadcast_in_dim3A_772, %broadcast_in_dim3A_774 : vector<16xi1>, vector<16xi32>
      %add3A_780 = arith.addi %sub3A_777, %select_n3A_779 : vector<16xi32>
      %lt3A_781 = arith.cmpf olt, %add3A_770, %min3A_723 : vector<16xf32>
      %select_n3A_782 = arith.select %lt3A_781, %broadcast_in_dim3A_772, %broadcast_in_dim3A_774 : vector<16xi1>, vector<16xi32>
      %add3A_783 = arith.addi %add3A_780, %select_n3A_782 : vector<16xi32>
      %jit3A_784 = arith.constant 0 : i32
      %jit3A_785 = arith.constant 255 : i32
      %max3A_786 = vector.broadcast %jit3A_784 : i32 to vector<16xi32>
      %max3A_787 = arith.maxsi %max3A_786, %add3A_783 : vector<16xi32>
      %min3A_788 = vector.broadcast %jit3A_785 : i32 to vector<16xi32>
      %min3A_789 = arith.minsi %min3A_788, %max3A_787 : vector<16xi32>
      %swap3A_790 = arith.constant 64 : index
      %swap3A_791 = tpu.vector_load %arg11[%swap3A_790] {strides = array<i32>} : memref<128xi32, #tpu.memory_space<vmem>>, vector<16xi32>,
      %swap3A_792 = vector.shape_cast %swap3A_791 : vector<16xi32> to vector<16xi32>
      %swap3A_793 = vector.shape_cast %min3A_789 : vector<16xi32> to vector<16xi32>
      tpu.vector_store %arg11[%swap3A_790], %swap3A_793 {strides = array<i32>} : memref<128xi32, #tpu.memory_space<vmem>>, vector<16xi32>,
      %get3A_794 = arith.constant 80 : index
      %get3A_795 = tpu.vector_load %arg8[%get3A_794] {strides = array<i32>} : memref<128xf32, #tpu.memory_space<vmem>>, vector<16xf32>,
      %get3A_796 = vector.shape_cast %get3A_795 : vector<16xf32> to vector<16xf32>
      %jit3A_797 = arith.constant 5.000000e+01 : f32
      %jit3A_798 = arith.constant 4.000000e+02 : f32
      %max3A_799 = vector.broadcast %jit3A_797 : f32 to vector<16xf32>
      %max3A_800 = arith.maximumf %max3A_799, %get3A_796 : vector<16xf32>
      %min3A_801 = vector.broadcast %jit3A_798 : f32 to vector<16xf32>
      %min3A_802 = arith.minimumf %min3A_801, %max3A_800 : vector<16xf32>
      %sub3A_803 = arith.constant 5.000000e+01 : f32
      %sub3A_804 = vector.broadcast %sub3A_803 : f32 to vector<16xf32>
      %sub3A_805 = arith.subf %min3A_802, %sub3A_804 : vector<16xf32>
      %mul3A_806 = arith.constant 0.728571414 : f32
      %mul3A_807 = vector.broadcast %mul3A_806 : f32 to vector<16xf32>
      %mul3A_808 = arith.mulf %sub3A_805, %mul3A_807 : vector<16xf32>
      %add3A_809 = arith.constant 5.000000e-01 : f32
      %add3A_810 = vector.broadcast %add3A_809 : f32 to vector<16xf32>
      %add3A_811 = arith.addf %mul3A_808, %add3A_810 : vector<16xf32>
      %convert_element_type3A_812 = arith.fptosi %add3A_811 : vector<16xf32> to vector<16xi32>
      %min3A_813 = arith.constant 255 : i32
      %min3A_814 = vector.broadcast %min3A_813 : i32 to vector<16xi32>
      %min3A_815 = arith.minsi %convert_element_type3A_812, %min3A_814 : vector<16xi32>
      %sub3A_816 = arith.constant 1 : i32
      %sub3A_817 = vector.broadcast %sub3A_816 : i32 to vector<16xi32>
      %sub3A_818 = arith.subi %min3A_815, %sub3A_817 : vector<16xi32>
      %max3A_819 = arith.constant 0 : i32
      %max3A_820 = vector.broadcast %max3A_819 : i32 to vector<16xi32>
      %max3A_821 = arith.maxsi %sub3A_818, %max3A_820 : vector<16xi32>
      %convert_element_type3A_822 = arith.sitofp %max3A_821 : vector<16xi32> to vector<16xf32>
      %div3A_823 = arith.constant 2.550000e+02 : f32
      %div3A_824 = vector.broadcast %div3A_823 : f32 to vector<16xf32>
      %div3A_825 = arith.divf %convert_element_type3A_822, %div3A_824 : vector<16xf32>
      %sub3A_826 = arith.constant 1.000000e+00 : f32
      %sub3A_827 = vector.broadcast %sub3A_826 : f32 to vector<16xf32>
      %sub3A_828 = arith.subf %sub3A_827, %div3A_825 : vector<16xf32>
      %mul3A_829 = arith.constant 5.000000e+01 : f32
      %mul3A_830 = vector.broadcast %mul3A_829 : f32 to vector<16xf32>
      %mul3A_831 = arith.mulf %mul3A_830, %sub3A_828 : vector<16xf32>
      %mul3A_832 = arith.constant 4.000000e+02 : f32
      %mul3A_833 = vector.broadcast %mul3A_832 : f32 to vector<16xf32>
      %mul3A_834 = arith.mulf %mul3A_833, %div3A_825 : vector<16xf32>
      %add3A_835 = arith.addf %mul3A_831, %mul3A_834 : vector<16xf32>
      %convert_element_type3A_836 = arith.sitofp %min3A_815 : vector<16xi32> to vector<16xf32>
      %div3A_837 = arith.constant 2.550000e+02 : f32
      %div3A_838 = vector.broadcast %div3A_837 : f32 to vector<16xf32>
      %div3A_839 = arith.divf %convert_element_type3A_836, %div3A_838 : vector<16xf32>
      %sub3A_840 = arith.constant 1.000000e+00 : f32
      %sub3A_841 = vector.broadcast %sub3A_840 : f32 to vector<16xf32>
      %sub3A_842 = arith.subf %sub3A_841, %div3A_839 : vector<16xf32>
      %mul3A_843 = arith.constant 5.000000e+01 : f32
      %mul3A_844 = vector.broadcast %mul3A_843 : f32 to vector<16xf32>
      %mul3A_845 = arith.mulf %mul3A_844, %sub3A_842 : vector<16xf32>
      %mul3A_846 = arith.constant 4.000000e+02 : f32
      %mul3A_847 = vector.broadcast %mul3A_846 : f32 to vector<16xf32>
      %mul3A_848 = arith.mulf %mul3A_847, %div3A_839 : vector<16xf32>
      %add3A_849 = arith.addf %mul3A_845, %mul3A_848 : vector<16xf32>
      %broadcast_in_dim3A_850 = arith.constant 1 : i32
      %broadcast_in_dim3A_851 = vector.broadcast %broadcast_in_dim3A_850 : i32 to vector<16xi32>
      %broadcast_in_dim3A_852 = arith.constant 0 : i32
      %broadcast_in_dim3A_853 = vector.broadcast %broadcast_in_dim3A_852 : i32 to vector<16xi32>
      %sub3A_854 = arith.constant 1 : i32
      %sub3A_855 = vector.broadcast %sub3A_854 : i32 to vector<16xi32>
      %sub3A_856 = arith.subi %min3A_815, %sub3A_855 : vector<16xi32>
      %lt3A_857 = arith.cmpf olt, %add3A_835, %min3A_802 : vector<16xf32>
      %select_n3A_858 = arith.select %lt3A_857, %broadcast_in_dim3A_851, %broadcast_in_dim3A_853 : vector<16xi1>, vector<16xi32>
      %add3A_859 = arith.addi %sub3A_856, %select_n3A_858 : vector<16xi32>
      %lt3A_860 = arith.cmpf olt, %add3A_849, %min3A_802 : vector<16xf32>
      %select_n3A_861 = arith.select %lt3A_860, %broadcast_in_dim3A_851, %broadcast_in_dim3A_853 : vector<16xi1>, vector<16xi32>
      %add3A_862 = arith.addi %add3A_859, %select_n3A_861 : vector<16xi32>
      %jit3A_863 = arith.constant 0 : i32
      %jit3A_864 = arith.constant 255 : i32
      %max3A_865 = vector.broadcast %jit3A_863 : i32 to vector<16xi32>
      %max3A_866 = arith.maxsi %max3A_865, %add3A_862 : vector<16xi32>
      %min3A_867 = vector.broadcast %jit3A_864 : i32 to vector<16xi32>
      %min3A_868 = arith.minsi %min3A_867, %max3A_866 : vector<16xi32>
      %swap3A_869 = arith.constant 80 : index
      %swap3A_870 = tpu.vector_load %arg10[%swap3A_869] {strides = array<i32>} : memref<128xi32, #tpu.memory_space<vmem>>, vector<16xi32>,
      %swap3A_871 = vector.shape_cast %swap3A_870 : vector<16xi32> to vector<16xi32>
      %swap3A_872 = vector.shape_cast %min3A_868 : vector<16xi32> to vector<16xi32>
      tpu.vector_store %arg10[%swap3A_869], %swap3A_872 {strides = array<i32>} : memref<128xi32, #tpu.memory_space<vmem>>, vector<16xi32>,
      %get3A_873 = arith.constant 80 : index
      %get3A_874 = tpu.vector_load %arg9[%get3A_873] {strides = array<i32>} : memref<128xf32, #tpu.memory_space<vmem>>, vector<16xf32>,
      %get3A_875 = vector.shape_cast %get3A_874 : vector<16xf32> to vector<16xf32>
      %jit3A_876 = arith.constant 0.000000e+00 : f32
      %jit3A_877 = arith.constant 1.000000e+00 : f32
      %max3A_878 = vector.broadcast %jit3A_876 : f32 to vector<16xf32>
      %max3A_879 = arith.maximumf %max3A_878, %get3A_875 : vector<16xf32>
      %min3A_880 = vector.broadcast %jit3A_877 : f32 to vector<16xf32>
      %min3A_881 = arith.minimumf %min3A_880, %max3A_879 : vector<16xf32>
      %sub3A_882 = arith.constant 0.000000e+00 : f32
      %sub3A_883 = vector.broadcast %sub3A_882 : f32 to vector<16xf32>
      %sub3A_884 = arith.subf %min3A_881, %sub3A_883 : vector<16xf32>
      %mul3A_885 = arith.constant 2.550000e+02 : f32
      %mul3A_886 = vector.broadcast %mul3A_885 : f32 to vector<16xf32>
      %mul3A_887 = arith.mulf %sub3A_884, %mul3A_886 : vector<16xf32>
      %add3A_888 = arith.constant 5.000000e-01 : f32
      %add3A_889 = vector.broadcast %add3A_888 : f32 to vector<16xf32>
      %add3A_890 = arith.addf %mul3A_887, %add3A_889 : vector<16xf32>
      %convert_element_type3A_891 = arith.fptosi %add3A_890 : vector<16xf32> to vector<16xi32>
      %min3A_892 = arith.constant 255 : i32
      %min3A_893 = vector.broadcast %min3A_892 : i32 to vector<16xi32>
      %min3A_894 = arith.minsi %convert_element_type3A_891, %min3A_893 : vector<16xi32>
      %sub3A_895 = arith.constant 1 : i32
      %sub3A_896 = vector.broadcast %sub3A_895 : i32 to vector<16xi32>
      %sub3A_897 = arith.subi %min3A_894, %sub3A_896 : vector<16xi32>
      %max3A_898 = arith.constant 0 : i32
      %max3A_899 = vector.broadcast %max3A_898 : i32 to vector<16xi32>
      %max3A_900 = arith.maxsi %sub3A_897, %max3A_899 : vector<16xi32>
      %convert_element_type3A_901 = arith.sitofp %max3A_900 : vector<16xi32> to vector<16xf32>
      %div3A_902 = arith.constant 2.550000e+02 : f32
      %div3A_903 = vector.broadcast %div3A_902 : f32 to vector<16xf32>
      %div3A_904 = arith.divf %convert_element_type3A_901, %div3A_903 : vector<16xf32>
      %sub3A_905 = arith.constant 1.000000e+00 : f32
      %sub3A_906 = vector.broadcast %sub3A_905 : f32 to vector<16xf32>
      %sub3A_907 = arith.subf %sub3A_906, %div3A_904 : vector<16xf32>
      %mul3A_908 = arith.constant 0.000000e+00 : f32
      %mul3A_909 = vector.broadcast %mul3A_908 : f32 to vector<16xf32>
      %mul3A_910 = arith.mulf %mul3A_909, %sub3A_907 : vector<16xf32>
      %mul3A_911 = arith.constant 1.000000e+00 : f32
      %mul3A_912 = vector.broadcast %mul3A_911 : f32 to vector<16xf32>
      %mul3A_913 = arith.mulf %mul3A_912, %div3A_904 : vector<16xf32>
      %add3A_914 = arith.addf %mul3A_910, %mul3A_913 : vector<16xf32>
      %convert_element_type3A_915 = arith.sitofp %min3A_894 : vector<16xi32> to vector<16xf32>
      %div3A_916 = arith.constant 2.550000e+02 : f32
      %div3A_917 = vector.broadcast %div3A_916 : f32 to vector<16xf32>
      %div3A_918 = arith.divf %convert_element_type3A_915, %div3A_917 : vector<16xf32>
      %sub3A_919 = arith.constant 1.000000e+00 : f32
      %sub3A_920 = vector.broadcast %sub3A_919 : f32 to vector<16xf32>
      %sub3A_921 = arith.subf %sub3A_920, %div3A_918 : vector<16xf32>
      %mul3A_922 = arith.constant 0.000000e+00 : f32
      %mul3A_923 = vector.broadcast %mul3A_922 : f32 to vector<16xf32>
      %mul3A_924 = arith.mulf %mul3A_923, %sub3A_921 : vector<16xf32>
      %mul3A_925 = arith.constant 1.000000e+00 : f32
      %mul3A_926 = vector.broadcast %mul3A_925 : f32 to vector<16xf32>
      %mul3A_927 = arith.mulf %mul3A_926, %div3A_918 : vector<16xf32>
      %add3A_928 = arith.addf %mul3A_924, %mul3A_927 : vector<16xf32>
      %broadcast_in_dim3A_929 = arith.constant 1 : i32
      %broadcast_in_dim3A_930 = vector.broadcast %broadcast_in_dim3A_929 : i32 to vector<16xi32>
      %broadcast_in_dim3A_931 = arith.constant 0 : i32
      %broadcast_in_dim3A_932 = vector.broadcast %broadcast_in_dim3A_931 : i32 to vector<16xi32>
      %sub3A_933 = arith.constant 1 : i32
      %sub3A_934 = vector.broadcast %sub3A_933 : i32 to vector<16xi32>
      %sub3A_935 = arith.subi %min3A_894, %sub3A_934 : vector<16xi32>
      %lt3A_936 = arith.cmpf olt, %add3A_914, %min3A_881 : vector<16xf32>
      %select_n3A_937 = arith.select %lt3A_936, %broadcast_in_dim3A_930, %broadcast_in_dim3A_932 : vector<16xi1>, vector<16xi32>
      %add3A_938 = arith.addi %sub3A_935, %select_n3A_937 : vector<16xi32>
      %lt3A_939 = arith.cmpf olt, %add3A_928, %min3A_881 : vector<16xf32>
      %select_n3A_940 = arith.select %lt3A_939, %broadcast_in_dim3A_930, %broadcast_in_dim3A_932 : vector<16xi1>, vector<16xi32>
      %add3A_941 = arith.addi %add3A_938, %select_n3A_940 : vector<16xi32>
      %jit3A_942 = arith.constant 0 : i32
      %jit3A_943 = arith.constant 255 : i32
      %max3A_944 = vector.broadcast %jit3A_942 : i32 to vector<16xi32>
      %max3A_945 = arith.maxsi %max3A_944, %add3A_941 : vector<16xi32>
      %min3A_946 = vector.broadcast %jit3A_943 : i32 to vector<16xi32>
      %min3A_947 = arith.minsi %min3A_946, %max3A_945 : vector<16xi32>
      %swap3A_948 = arith.constant 80 : index
      %swap3A_949 = tpu.vector_load %arg11[%swap3A_948] {strides = array<i32>} : memref<128xi32, #tpu.memory_space<vmem>>, vector<16xi32>,
      %swap3A_950 = vector.shape_cast %swap3A_949 : vector<16xi32> to vector<16xi32>
      %swap3A_951 = vector.shape_cast %min3A_947 : vector<16xi32> to vector<16xi32>
      tpu.vector_store %arg11[%swap3A_948], %swap3A_951 {strides = array<i32>} : memref<128xi32, #tpu.memory_space<vmem>>, vector<16xi32>,
      %get3A_952 = arith.constant 96 : index
      %get3A_953 = tpu.vector_load %arg8[%get3A_952] {strides = array<i32>} : memref<128xf32, #tpu.memory_space<vmem>>, vector<16xf32>,
      %get3A_954 = vector.shape_cast %get3A_953 : vector<16xf32> to vector<16xf32>
      %jit3A_955 = arith.constant 5.000000e+01 : f32
      %jit3A_956 = arith.constant 4.000000e+02 : f32
      %max3A_957 = vector.broadcast %jit3A_955 : f32 to vector<16xf32>
      %max3A_958 = arith.maximumf %max3A_957, %get3A_954 : vector<16xf32>
      %min3A_959 = vector.broadcast %jit3A_956 : f32 to vector<16xf32>
      %min3A_960 = arith.minimumf %min3A_959, %max3A_958 : vector<16xf32>
      %sub3A_961 = arith.constant 5.000000e+01 : f32
      %sub3A_962 = vector.broadcast %sub3A_961 : f32 to vector<16xf32>
      %sub3A_963 = arith.subf %min3A_960, %sub3A_962 : vector<16xf32>
      %mul3A_964 = arith.constant 0.728571414 : f32
      %mul3A_965 = vector.broadcast %mul3A_964 : f32 to vector<16xf32>
      %mul3A_966 = arith.mulf %sub3A_963, %mul3A_965 : vector<16xf32>
      %add3A_967 = arith.constant 5.000000e-01 : f32
      %add3A_968 = vector.broadcast %add3A_967 : f32 to vector<16xf32>
      %add3A_969 = arith.addf %mul3A_966, %add3A_968 : vector<16xf32>
      %convert_element_type3A_970 = arith.fptosi %add3A_969 : vector<16xf32> to vector<16xi32>
      %min3A_971 = arith.constant 255 : i32
      %min3A_972 = vector.broadcast %min3A_971 : i32 to vector<16xi32>
      %min3A_973 = arith.minsi %convert_element_type3A_970, %min3A_972 : vector<16xi32>
      %sub3A_974 = arith.constant 1 : i32
      %sub3A_975 = vector.broadcast %sub3A_974 : i32 to vector<16xi32>
      %sub3A_976 = arith.subi %min3A_973, %sub3A_975 : vector<16xi32>
      %max3A_977 = arith.constant 0 : i32
      %max3A_978 = vector.broadcast %max3A_977 : i32 to vector<16xi32>
      %max3A_979 = arith.maxsi %sub3A_976, %max3A_978 : vector<16xi32>
      %convert_element_type3A_980 = arith.sitofp %max3A_979 : vector<16xi32> to vector<16xf32>
      %div3A_981 = arith.constant 2.550000e+02 : f32
      %div3A_982 = vector.broadcast %div3A_981 : f32 to vector<16xf32>
      %div3A_983 = arith.divf %convert_element_type3A_980, %div3A_982 : vector<16xf32>
      %sub3A_984 = arith.constant 1.000000e+00 : f32
      %sub3A_985 = vector.broadcast %sub3A_984 : f32 to vector<16xf32>
      %sub3A_986 = arith.subf %sub3A_985, %div3A_983 : vector<16xf32>
      %mul3A_987 = arith.constant 5.000000e+01 : f32
      %mul3A_988 = vector.broadcast %mul3A_987 : f32 to vector<16xf32>
      %mul3A_989 = arith.mulf %mul3A_988, %sub3A_986 : vector<16xf32>
      %mul3A_990 = arith.constant 4.000000e+02 : f32
      %mul3A_991 = vector.broadcast %mul3A_990 : f32 to vector<16xf32>
      %mul3A_992 = arith.mulf %mul3A_991, %div3A_983 : vector<16xf32>
      %add3A_993 = arith.addf %mul3A_989, %mul3A_992 : vector<16xf32>
      %convert_element_type3A_994 = arith.sitofp %min3A_973 : vector<16xi32> to vector<16xf32>
      %div3A_995 = arith.constant 2.550000e+02 : f32
      %div3A_996 = vector.broadcast %div3A_995 : f32 to vector<16xf32>
      %div3A_997 = arith.divf %convert_element_type3A_994, %div3A_996 : vector<16xf32>
      %sub3A_998 = arith.constant 1.000000e+00 : f32
      %sub3A_999 = vector.broadcast %sub3A_998 : f32 to vector<16xf32>
      %sub3A_1000 = arith.subf %sub3A_999, %div3A_997 : vector<16xf32>
      %mul3A_1001 = arith.constant 5.000000e+01 : f32
      %mul3A_1002 = vector.broadcast %mul3A_1001 : f32 to vector<16xf32>
      %mul3A_1003 = arith.mulf %mul3A_1002, %sub3A_1000 : vector<16xf32>
      %mul3A_1004 = arith.constant 4.000000e+02 : f32
      %mul3A_1005 = vector.broadcast %mul3A_1004 : f32 to vector<16xf32>
      %mul3A_1006 = arith.mulf %mul3A_1005, %div3A_997 : vector<16xf32>
      %add3A_1007 = arith.addf %mul3A_1003, %mul3A_1006 : vector<16xf32>
      %broadcast_in_dim3A_1008 = arith.constant 1 : i32
      %broadcast_in_dim3A_1009 = vector.broadcast %broadcast_in_dim3A_1008 : i32 to vector<16xi32>
      %broadcast_in_dim3A_1010 = arith.constant 0 : i32
      %broadcast_in_dim3A_1011 = vector.broadcast %broadcast_in_dim3A_1010 : i32 to vector<16xi32>
      %sub3A_1012 = arith.constant 1 : i32
      %sub3A_1013 = vector.broadcast %sub3A_1012 : i32 to vector<16xi32>
      %sub3A_1014 = arith.subi %min3A_973, %sub3A_1013 : vector<16xi32>
      %lt3A_1015 = arith.cmpf olt, %add3A_993, %min3A_960 : vector<16xf32>
      %select_n3A_1016 = arith.select %lt3A_1015, %broadcast_in_dim3A_1009, %broadcast_in_dim3A_1011 : vector<16xi1>, vector<16xi32>
      %add3A_1017 = arith.addi %sub3A_1014, %select_n3A_1016 : vector<16xi32>
      %lt3A_1018 = arith.cmpf olt, %add3A_1007, %min3A_960 : vector<16xf32>
      %select_n3A_1019 = arith.select %lt3A_1018, %broadcast_in_dim3A_1009, %broadcast_in_dim3A_1011 : vector<16xi1>, vector<16xi32>
      %add3A_1020 = arith.addi %add3A_1017, %select_n3A_1019 : vector<16xi32>
      %jit3A_1021 = arith.constant 0 : i32
      %jit3A_1022 = arith.constant 255 : i32
      %max3A_1023 = vector.broadcast %jit3A_1021 : i32 to vector<16xi32>
      %max3A_1024 = arith.maxsi %max3A_1023, %add3A_1020 : vector<16xi32>
      %min3A_1025 = vector.broadcast %jit3A_1022 : i32 to vector<16xi32>
      %min3A_1026 = arith.minsi %min3A_1025, %max3A_1024 : vector<16xi32>
      %swap3A_1027 = arith.constant 96 : index
      %swap3A_1028 = tpu.vector_load %arg10[%swap3A_1027] {strides = array<i32>} : memref<128xi32, #tpu.memory_space<vmem>>, vector<16xi32>,
      %swap3A_1029 = vector.shape_cast %swap3A_1028 : vector<16xi32> to vector<16xi32>
      %swap3A_1030 = vector.shape_cast %min3A_1026 : vector<16xi32> to vector<16xi32>
      tpu.vector_store %arg10[%swap3A_1027], %swap3A_1030 {strides = array<i32>} : memref<128xi32, #tpu.memory_space<vmem>>, vector<16xi32>,
      %get3A_1031 = arith.constant 96 : index
      %get3A_1032 = tpu.vector_load %arg9[%get3A_1031] {strides = array<i32>} : memref<128xf32, #tpu.memory_space<vmem>>, vector<16xf32>,
      %get3A_1033 = vector.shape_cast %get3A_1032 : vector<16xf32> to vector<16xf32>
      %jit3A_1034 = arith.constant 0.000000e+00 : f32
      %jit3A_1035 = arith.constant 1.000000e+00 : f32
      %max3A_1036 = vector.broadcast %jit3A_1034 : f32 to vector<16xf32>
      %max3A_1037 = arith.maximumf %max3A_1036, %get3A_1033 : vector<16xf32>
      %min3A_1038 = vector.broadcast %jit3A_1035 : f32 to vector<16xf32>
      %min3A_1039 = arith.minimumf %min3A_1038, %max3A_1037 : vector<16xf32>
      %sub3A_1040 = arith.constant 0.000000e+00 : f32
      %sub3A_1041 = vector.broadcast %sub3A_1040 : f32 to vector<16xf32>
      %sub3A_1042 = arith.subf %min3A_1039, %sub3A_1041 : vector<16xf32>
      %mul3A_1043 = arith.constant 2.550000e+02 : f32
      %mul3A_1044 = vector.broadcast %mul3A_1043 : f32 to vector<16xf32>
      %mul3A_1045 = arith.mulf %sub3A_1042, %mul3A_1044 : vector<16xf32>
      %add3A_1046 = arith.constant 5.000000e-01 : f32
      %add3A_1047 = vector.broadcast %add3A_1046 : f32 to vector<16xf32>
      %add3A_1048 = arith.addf %mul3A_1045, %add3A_1047 : vector<16xf32>
      %convert_element_type3A_1049 = arith.fptosi %add3A_1048 : vector<16xf32> to vector<16xi32>
      %min3A_1050 = arith.constant 255 : i32
      %min3A_1051 = vector.broadcast %min3A_1050 : i32 to vector<16xi32>
      %min3A_1052 = arith.minsi %convert_element_type3A_1049, %min3A_1051 : vector<16xi32>
      %sub3A_1053 = arith.constant 1 : i32
      %sub3A_1054 = vector.broadcast %sub3A_1053 : i32 to vector<16xi32>
      %sub3A_1055 = arith.subi %min3A_1052, %sub3A_1054 : vector<16xi32>
      %max3A_1056 = arith.constant 0 : i32
      %max3A_1057 = vector.broadcast %max3A_1056 : i32 to vector<16xi32>
      %max3A_1058 = arith.maxsi %sub3A_1055, %max3A_1057 : vector<16xi32>
      %convert_element_type3A_1059 = arith.sitofp %max3A_1058 : vector<16xi32> to vector<16xf32>
      %div3A_1060 = arith.constant 2.550000e+02 : f32
      %div3A_1061 = vector.broadcast %div3A_1060 : f32 to vector<16xf32>
      %div3A_1062 = arith.divf %convert_element_type3A_1059, %div3A_1061 : vector<16xf32>
      %sub3A_1063 = arith.constant 1.000000e+00 : f32
      %sub3A_1064 = vector.broadcast %sub3A_1063 : f32 to vector<16xf32>
      %sub3A_1065 = arith.subf %sub3A_1064, %div3A_1062 : vector<16xf32>
      %mul3A_1066 = arith.constant 0.000000e+00 : f32
      %mul3A_1067 = vector.broadcast %mul3A_1066 : f32 to vector<16xf32>
      %mul3A_1068 = arith.mulf %mul3A_1067, %sub3A_1065 : vector<16xf32>
      %mul3A_1069 = arith.constant 1.000000e+00 : f32
      %mul3A_1070 = vector.broadcast %mul3A_1069 : f32 to vector<16xf32>
      %mul3A_1071 = arith.mulf %mul3A_1070, %div3A_1062 : vector<16xf32>
      %add3A_1072 = arith.addf %mul3A_1068, %mul3A_1071 : vector<16xf32>
      %convert_element_type3A_1073 = arith.sitofp %min3A_1052 : vector<16xi32> to vector<16xf32>
      %div3A_1074 = arith.constant 2.550000e+02 : f32
      %div3A_1075 = vector.broadcast %div3A_1074 : f32 to vector<16xf32>
      %div3A_1076 = arith.divf %convert_element_type3A_1073, %div3A_1075 : vector<16xf32>
      %sub3A_1077 = arith.constant 1.000000e+00 : f32
      %sub3A_1078 = vector.broadcast %sub3A_1077 : f32 to vector<16xf32>
      %sub3A_1079 = arith.subf %sub3A_1078, %div3A_1076 : vector<16xf32>
      %mul3A_1080 = arith.constant 0.000000e+00 : f32
      %mul3A_1081 = vector.broadcast %mul3A_1080 : f32 to vector<16xf32>
      %mul3A_1082 = arith.mulf %mul3A_1081, %sub3A_1079 : vector<16xf32>
      %mul3A_1083 = arith.constant 1.000000e+00 : f32
      %mul3A_1084 = vector.broadcast %mul3A_1083 : f32 to vector<16xf32>
      %mul3A_1085 = arith.mulf %mul3A_1084, %div3A_1076 : vector<16xf32>
      %add3A_1086 = arith.addf %mul3A_1082, %mul3A_1085 : vector<16xf32>
      %broadcast_in_dim3A_1087 = arith.constant 1 : i32
      %broadcast_in_dim3A_1088 = vector.broadcast %broadcast_in_dim3A_1087 : i32 to vector<16xi32>
      %broadcast_in_dim3A_1089 = arith.constant 0 : i32
      %broadcast_in_dim3A_1090 = vector.broadcast %broadcast_in_dim3A_1089 : i32 to vector<16xi32>
      %sub3A_1091 = arith.constant 1 : i32
      %sub3A_1092 = vector.broadcast %sub3A_1091 : i32 to vector<16xi32>
      %sub3A_1093 = arith.subi %min3A_1052, %sub3A_1092 : vector<16xi32>
      %lt3A_1094 = arith.cmpf olt, %add3A_1072, %min3A_1039 : vector<16xf32>
      %select_n3A_1095 = arith.select %lt3A_1094, %broadcast_in_dim3A_1088, %broadcast_in_dim3A_1090 : vector<16xi1>, vector<16xi32>
      %add3A_1096 = arith.addi %sub3A_1093, %select_n3A_1095 : vector<16xi32>
      %lt3A_1097 = arith.cmpf olt, %add3A_1086, %min3A_1039 : vector<16xf32>
      %select_n3A_1098 = arith.select %lt3A_1097, %broadcast_in_dim3A_1088, %broadcast_in_dim3A_1090 : vector<16xi1>, vector<16xi32>
      %add3A_1099 = arith.addi %add3A_1096, %select_n3A_1098 : vector<16xi32>
      %jit3A_1100 = arith.constant 0 : i32
      %jit3A_1101 = arith.constant 255 : i32
      %max3A_1102 = vector.broadcast %jit3A_1100 : i32 to vector<16xi32>
      %max3A_1103 = arith.maxsi %max3A_1102, %add3A_1099 : vector<16xi32>
      %min3A_1104 = vector.broadcast %jit3A_1101 : i32 to vector<16xi32>
      %min3A_1105 = arith.minsi %min3A_1104, %max3A_1103 : vector<16xi32>
      %swap3A_1106 = arith.constant 96 : index
      %swap3A_1107 = tpu.vector_load %arg11[%swap3A_1106] {strides = array<i32>} : memref<128xi32, #tpu.memory_space<vmem>>, vector<16xi32>,
      %swap3A_1108 = vector.shape_cast %swap3A_1107 : vector<16xi32> to vector<16xi32>
      %swap3A_1109 = vector.shape_cast %min3A_1105 : vector<16xi32> to vector<16xi32>
      tpu.vector_store %arg11[%swap3A_1106], %swap3A_1109 {strides = array<i32>} : memref<128xi32, #tpu.memory_space<vmem>>, vector<16xi32>,
      %get3A_1110 = arith.constant 112 : index
      %get3A_1111 = tpu.vector_load %arg8[%get3A_1110] {strides = array<i32>} : memref<128xf32, #tpu.memory_space<vmem>>, vector<16xf32>,
      %get3A_1112 = vector.shape_cast %get3A_1111 : vector<16xf32> to vector<16xf32>
      %jit3A_1113 = arith.constant 5.000000e+01 : f32
      %jit3A_1114 = arith.constant 4.000000e+02 : f32
      %max3A_1115 = vector.broadcast %jit3A_1113 : f32 to vector<16xf32>
      %max3A_1116 = arith.maximumf %max3A_1115, %get3A_1112 : vector<16xf32>
      %min3A_1117 = vector.broadcast %jit3A_1114 : f32 to vector<16xf32>
      %min3A_1118 = arith.minimumf %min3A_1117, %max3A_1116 : vector<16xf32>
      %sub3A_1119 = arith.constant 5.000000e+01 : f32
      %sub3A_1120 = vector.broadcast %sub3A_1119 : f32 to vector<16xf32>
      %sub3A_1121 = arith.subf %min3A_1118, %sub3A_1120 : vector<16xf32>
      %mul3A_1122 = arith.constant 0.728571414 : f32
      %mul3A_1123 = vector.broadcast %mul3A_1122 : f32 to vector<16xf32>
      %mul3A_1124 = arith.mulf %sub3A_1121, %mul3A_1123 : vector<16xf32>
      %add3A_1125 = arith.constant 5.000000e-01 : f32
      %add3A_1126 = vector.broadcast %add3A_1125 : f32 to vector<16xf32>
      %add3A_1127 = arith.addf %mul3A_1124, %add3A_1126 : vector<16xf32>
      %convert_element_type3A_1128 = arith.fptosi %add3A_1127 : vector<16xf32> to vector<16xi32>
      %min3A_1129 = arith.constant 255 : i32
      %min3A_1130 = vector.broadcast %min3A_1129 : i32 to vector<16xi32>
      %min3A_1131 = arith.minsi %convert_element_type3A_1128, %min3A_1130 : vector<16xi32>
      %sub3A_1132 = arith.constant 1 : i32
      %sub3A_1133 = vector.broadcast %sub3A_1132 : i32 to vector<16xi32>
      %sub3A_1134 = arith.subi %min3A_1131, %sub3A_1133 : vector<16xi32>
      %max3A_1135 = arith.constant 0 : i32
      %max3A_1136 = vector.broadcast %max3A_1135 : i32 to vector<16xi32>
      %max3A_1137 = arith.maxsi %sub3A_1134, %max3A_1136 : vector<16xi32>
      %convert_element_type3A_1138 = arith.sitofp %max3A_1137 : vector<16xi32> to vector<16xf32>
      %div3A_1139 = arith.constant 2.550000e+02 : f32
      %div3A_1140 = vector.broadcast %div3A_1139 : f32 to vector<16xf32>
      %div3A_1141 = arith.divf %convert_element_type3A_1138, %div3A_1140 : vector<16xf32>
      %sub3A_1142 = arith.constant 1.000000e+00 : f32
      %sub3A_1143 = vector.broadcast %sub3A_1142 : f32 to vector<16xf32>
      %sub3A_1144 = arith.subf %sub3A_1143, %div3A_1141 : vector<16xf32>
      %mul3A_1145 = arith.constant 5.000000e+01 : f32
      %mul3A_1146 = vector.broadcast %mul3A_1145 : f32 to vector<16xf32>
      %mul3A_1147 = arith.mulf %mul3A_1146, %sub3A_1144 : vector<16xf32>
      %mul3A_1148 = arith.constant 4.000000e+02 : f32
      %mul3A_1149 = vector.broadcast %mul3A_1148 : f32 to vector<16xf32>
      %mul3A_1150 = arith.mulf %mul3A_1149, %div3A_1141 : vector<16xf32>
      %add3A_1151 = arith.addf %mul3A_1147, %mul3A_1150 : vector<16xf32>
      %convert_element_type3A_1152 = arith.sitofp %min3A_1131 : vector<16xi32> to vector<16xf32>
      %div3A_1153 = arith.constant 2.550000e+02 : f32
      %div3A_1154 = vector.broadcast %div3A_1153 : f32 to vector<16xf32>
      %div3A_1155 = arith.divf %convert_element_type3A_1152, %div3A_1154 : vector<16xf32>
      %sub3A_1156 = arith.constant 1.000000e+00 : f32
      %sub3A_1157 = vector.broadcast %sub3A_1156 : f32 to vector<16xf32>
      %sub3A_1158 = arith.subf %sub3A_1157, %div3A_1155 : vector<16xf32>
      %mul3A_1159 = arith.constant 5.000000e+01 : f32
      %mul3A_1160 = vector.broadcast %mul3A_1159 : f32 to vector<16xf32>
      %mul3A_1161 = arith.mulf %mul3A_1160, %sub3A_1158 : vector<16xf32>
      %mul3A_1162 = arith.constant 4.000000e+02 : f32
      %mul3A_1163 = vector.broadcast %mul3A_1162 : f32 to vector<16xf32>
      %mul3A_1164 = arith.mulf %mul3A_1163, %div3A_1155 : vector<16xf32>
      %add3A_1165 = arith.addf %mul3A_1161, %mul3A_1164 : vector<16xf32>
      %broadcast_in_dim3A_1166 = arith.constant 1 : i32
      %broadcast_in_dim3A_1167 = vector.broadcast %broadcast_in_dim3A_1166 : i32 to vector<16xi32>
      %broadcast_in_dim3A_1168 = arith.constant 0 : i32
      %broadcast_in_dim3A_1169 = vector.broadcast %broadcast_in_dim3A_1168 : i32 to vector<16xi32>
      %sub3A_1170 = arith.constant 1 : i32
      %sub3A_1171 = vector.broadcast %sub3A_1170 : i32 to vector<16xi32>
      %sub3A_1172 = arith.subi %min3A_1131, %sub3A_1171 : vector<16xi32>
      %lt3A_1173 = arith.cmpf olt, %add3A_1151, %min3A_1118 : vector<16xf32>
      %select_n3A_1174 = arith.select %lt3A_1173, %broadcast_in_dim3A_1167, %broadcast_in_dim3A_1169 : vector<16xi1>, vector<16xi32>
      %add3A_1175 = arith.addi %sub3A_1172, %select_n3A_1174 : vector<16xi32>
      %lt3A_1176 = arith.cmpf olt, %add3A_1165, %min3A_1118 : vector<16xf32>
      %select_n3A_1177 = arith.select %lt3A_1176, %broadcast_in_dim3A_1167, %broadcast_in_dim3A_1169 : vector<16xi1>, vector<16xi32>
      %add3A_1178 = arith.addi %add3A_1175, %select_n3A_1177 : vector<16xi32>
      %jit3A_1179 = arith.constant 0 : i32
      %jit3A_1180 = arith.constant 255 : i32
      %max3A_1181 = vector.broadcast %jit3A_1179 : i32 to vector<16xi32>
      %max3A_1182 = arith.maxsi %max3A_1181, %add3A_1178 : vector<16xi32>
      %min3A_1183 = vector.broadcast %jit3A_1180 : i32 to vector<16xi32>
      %min3A_1184 = arith.minsi %min3A_1183, %max3A_1182 : vector<16xi32>
      %swap3A_1185 = arith.constant 112 : index
      %swap3A_1186 = tpu.vector_load %arg10[%swap3A_1185] {strides = array<i32>} : memref<128xi32, #tpu.memory_space<vmem>>, vector<16xi32>,
      %swap3A_1187 = vector.shape_cast %swap3A_1186 : vector<16xi32> to vector<16xi32>
      %swap3A_1188 = vector.shape_cast %min3A_1184 : vector<16xi32> to vector<16xi32>
      tpu.vector_store %arg10[%swap3A_1185], %swap3A_1188 {strides = array<i32>} : memref<128xi32, #tpu.memory_space<vmem>>, vector<16xi32>,
      %get3A_1189 = arith.constant 112 : index
      %get3A_1190 = tpu.vector_load %arg9[%get3A_1189] {strides = array<i32>} : memref<128xf32, #tpu.memory_space<vmem>>, vector<16xf32>,
      %get3A_1191 = vector.shape_cast %get3A_1190 : vector<16xf32> to vector<16xf32>
      %jit3A_1192 = arith.constant 0.000000e+00 : f32
      %jit3A_1193 = arith.constant 1.000000e+00 : f32
      %max3A_1194 = vector.broadcast %jit3A_1192 : f32 to vector<16xf32>
      %max3A_1195 = arith.maximumf %max3A_1194, %get3A_1191 : vector<16xf32>
      %min3A_1196 = vector.broadcast %jit3A_1193 : f32 to vector<16xf32>
      %min3A_1197 = arith.minimumf %min3A_1196, %max3A_1195 : vector<16xf32>
      %sub3A_1198 = arith.constant 0.000000e+00 : f32
      %sub3A_1199 = vector.broadcast %sub3A_1198 : f32 to vector<16xf32>
      %sub3A_1200 = arith.subf %min3A_1197, %sub3A_1199 : vector<16xf32>
      %mul3A_1201 = arith.constant 2.550000e+02 : f32
      %mul3A_1202 = vector.broadcast %mul3A_1201 : f32 to vector<16xf32>
      %mul3A_1203 = arith.mulf %sub3A_1200, %mul3A_1202 : vector<16xf32>
      %add3A_1204 = arith.constant 5.000000e-01 : f32
      %add3A_1205 = vector.broadcast %add3A_1204 : f32 to vector<16xf32>
      %add3A_1206 = arith.addf %mul3A_1203, %add3A_1205 : vector<16xf32>
      %convert_element_type3A_1207 = arith.fptosi %add3A_1206 : vector<16xf32> to vector<16xi32>
      %min3A_1208 = arith.constant 255 : i32
      %min3A_1209 = vector.broadcast %min3A_1208 : i32 to vector<16xi32>
      %min3A_1210 = arith.minsi %convert_element_type3A_1207, %min3A_1209 : vector<16xi32>
      %sub3A_1211 = arith.constant 1 : i32
      %sub3A_1212 = vector.broadcast %sub3A_1211 : i32 to vector<16xi32>
      %sub3A_1213 = arith.subi %min3A_1210, %sub3A_1212 : vector<16xi32>
      %max3A_1214 = arith.constant 0 : i32
      %max3A_1215 = vector.broadcast %max3A_1214 : i32 to vector<16xi32>
      %max3A_1216 = arith.maxsi %sub3A_1213, %max3A_1215 : vector<16xi32>
      %convert_element_type3A_1217 = arith.sitofp %max3A_1216 : vector<16xi32> to vector<16xf32>
      %div3A_1218 = arith.constant 2.550000e+02 : f32
      %div3A_1219 = vector.broadcast %div3A_1218 : f32 to vector<16xf32>
      %div3A_1220 = arith.divf %convert_element_type3A_1217, %div3A_1219 : vector<16xf32>
      %sub3A_1221 = arith.constant 1.000000e+00 : f32
      %sub3A_1222 = vector.broadcast %sub3A_1221 : f32 to vector<16xf32>
      %sub3A_1223 = arith.subf %sub3A_1222, %div3A_1220 : vector<16xf32>
      %mul3A_1224 = arith.constant 0.000000e+00 : f32
      %mul3A_1225 = vector.broadcast %mul3A_1224 : f32 to vector<16xf32>
      %mul3A_1226 = arith.mulf %mul3A_1225, %sub3A_1223 : vector<16xf32>
      %mul3A_1227 = arith.constant 1.000000e+00 : f32
      %mul3A_1228 = vector.broadcast %mul3A_1227 : f32 to vector<16xf32>
      %mul3A_1229 = arith.mulf %mul3A_1228, %div3A_1220 : vector<16xf32>
      %add3A_1230 = arith.addf %mul3A_1226, %mul3A_1229 : vector<16xf32>
      %convert_element_type3A_1231 = arith.sitofp %min3A_1210 : vector<16xi32> to vector<16xf32>
      %div3A_1232 = arith.constant 2.550000e+02 : f32
      %div3A_1233 = vector.broadcast %div3A_1232 : f32 to vector<16xf32>
      %div3A_1234 = arith.divf %convert_element_type3A_1231, %div3A_1233 : vector<16xf32>
      %sub3A_1235 = arith.constant 1.000000e+00 : f32
      %sub3A_1236 = vector.broadcast %sub3A_1235 : f32 to vector<16xf32>
      %sub3A_1237 = arith.subf %sub3A_1236, %div3A_1234 : vector<16xf32>
      %mul3A_1238 = arith.constant 0.000000e+00 : f32
      %mul3A_1239 = vector.broadcast %mul3A_1238 : f32 to vector<16xf32>
      %mul3A_1240 = arith.mulf %mul3A_1239, %sub3A_1237 : vector<16xf32>
      %mul3A_1241 = arith.constant 1.000000e+00 : f32
      %mul3A_1242 = vector.broadcast %mul3A_1241 : f32 to vector<16xf32>
      %mul3A_1243 = arith.mulf %mul3A_1242, %div3A_1234 : vector<16xf32>
      %add3A_1244 = arith.addf %mul3A_1240, %mul3A_1243 : vector<16xf32>
      %broadcast_in_dim3A_1245 = arith.constant 1 : i32
      %broadcast_in_dim3A_1246 = vector.broadcast %broadcast_in_dim3A_1245 : i32 to vector<16xi32>
      %broadcast_in_dim3A_1247 = arith.constant 0 : i32
      %broadcast_in_dim3A_1248 = vector.broadcast %broadcast_in_dim3A_1247 : i32 to vector<16xi32>
      %sub3A_1249 = arith.constant 1 : i32
      %sub3A_1250 = vector.broadcast %sub3A_1249 : i32 to vector<16xi32>
      %sub3A_1251 = arith.subi %min3A_1210, %sub3A_1250 : vector<16xi32>
      %lt3A_1252 = arith.cmpf olt, %add3A_1230, %min3A_1197 : vector<16xf32>
      %select_n3A_1253 = arith.select %lt3A_1252, %broadcast_in_dim3A_1246, %broadcast_in_dim3A_1248 : vector<16xi1>, vector<16xi32>
      %add3A_1254 = arith.addi %sub3A_1251, %select_n3A_1253 : vector<16xi32>
      %lt3A_1255 = arith.cmpf olt, %add3A_1244, %min3A_1197 : vector<16xf32>
      %select_n3A_1256 = arith.select %lt3A_1255, %broadcast_in_dim3A_1246, %broadcast_in_dim3A_1248 : vector<16xi1>, vector<16xi32>
      %add3A_1257 = arith.addi %add3A_1254, %select_n3A_1256 : vector<16xi32>
      %jit3A_1258 = arith.constant 0 : i32
      %jit3A_1259 = arith.constant 255 : i32
      %max3A_1260 = vector.broadcast %jit3A_1258 : i32 to vector<16xi32>
      %max3A_1261 = arith.maxsi %max3A_1260, %add3A_1257 : vector<16xi32>
      %min3A_1262 = vector.broadcast %jit3A_1259 : i32 to vector<16xi32>
      %min3A_1263 = arith.minsi %min3A_1262, %max3A_1261 : vector<16xi32>
      %swap3A_1264 = arith.constant 112 : index
      %swap3A_1265 = tpu.vector_load %arg11[%swap3A_1264] {strides = array<i32>} : memref<128xi32, #tpu.memory_space<vmem>>, vector<16xi32>,
      %swap3A_1266 = vector.shape_cast %swap3A_1265 : vector<16xi32> to vector<16xi32>
      %swap3A_1267 = vector.shape_cast %min3A_1263 : vector<16xi32> to vector<16xi32>
      tpu.vector_store %arg11[%swap3A_1264], %swap3A_1267 {strides = array<i32>} : memref<128xi32, #tpu.memory_space<vmem>>, vector<16xi32>,
      %dma_start3A_1268 = arith.constant 0 : i32
      %dma_start3A_1269 = arith.constant 0 : i32
      %dma_start3A_1270 = tpu.memref_slice %arg5[%dma_start3A_1268, %dma_start3A_1269] : memref<256x256xf32, #tpu.memory_space<hbm>> -> memref<256x256xf32, #tpu.memory_space<hbm>>
      tpu.enqueue_indirect_dma source(%dma_start3A_1270 : memref<256x256xf32, #tpu.memory_space<hbm>>) target(%arg13 : memref<128x256xf32, #tpu.memory_space<vmem>>) offsets(%arg10 : memref<128xi32, #tpu.memory_space<vmem>>) semaphore(%arg15 : memref<!tpu.dma_semaphore, #tpu.memory_space<semaphore_mem>>)
      %dma_start3A_1271 = arith.constant 0 : i32
      %dma_start3A_1272 = arith.constant 0 : i32
      %dma_start3A_1273 = tpu.memref_slice %arg6[%dma_start3A_1271, %dma_start3A_1272] : memref<256x256xf32, #tpu.memory_space<hbm>> -> memref<256x256xf32, #tpu.memory_space<hbm>>
      tpu.enqueue_indirect_dma source(%dma_start3A_1273 : memref<256x256xf32, #tpu.memory_space<hbm>>) target(%arg14 : memref<128x256xf32, #tpu.memory_space<vmem>>) offsets(%arg11 : memref<128xi32, #tpu.memory_space<vmem>>) semaphore(%arg15 : memref<!tpu.dma_semaphore, #tpu.memory_space<semaphore_mem>>)
      %dma_wait3A = arith.constant 0 : i32
      %dma_wait3A_1274 = arith.constant 0 : i32
      %dma_wait3A_1275 = tpu.memref_slice %arg5[%dma_wait3A, %dma_wait3A_1274] : memref<256x256xf32, #tpu.memory_space<hbm>> -> memref<256x256xf32, #tpu.memory_space<hbm>>
      tpu.wait_indirect_dma semaphore(%arg15 : memref<!tpu.dma_semaphore, #tpu.memory_space<semaphore_mem>>) src(%dma_wait3A_1275 : memref<256x256xf32, #tpu.memory_space<hbm>>) dst(%arg13 : memref<128x256xf32, #tpu.memory_space<vmem>>)
      %dma_wait3A_1276 = arith.constant 0 : i32
      %dma_wait3A_1277 = arith.constant 0 : i32
      %dma_wait3A_1278 = tpu.memref_slice %arg6[%dma_wait3A_1276, %dma_wait3A_1277] : memref<256x256xf32, #tpu.memory_space<hbm>> -> memref<256x256xf32, #tpu.memory_space<hbm>>
      tpu.wait_indirect_dma semaphore(%arg15 : memref<!tpu.dma_semaphore, #tpu.memory_space<semaphore_mem>>) src(%dma_wait3A_1278 : memref<256x256xf32, #tpu.memory_space<hbm>>) dst(%arg14 : memref<128x256xf32, #tpu.memory_space<vmem>>)
      %dma_wait3A_1279 = arith.constant 0 : i32
      %dma_wait3A_1280 = tpu.memref_slice %arg2[%add3A_11, %dma_wait3A_1279] : memref<65536x256xf32, #tpu.memory_space<hbm>> -> memref<128x256xf32, #tpu.memory_space<hbm>>
      %dma_wait3A_1281 = arith.constant 0 : i32
      %dma_wait3A_1282 = tpu.memref_slice %arg2[%add3A_11, %dma_wait3A_1281] : memref<65536x256xf32, #tpu.memory_space<hbm>> -> memref<128x256xf32, #tpu.memory_space<hbm>>
      tpu.wait_dma2 semaphore(%arg16 : memref<!tpu.dma_semaphore, #tpu.memory_space<semaphore_mem>>) src(%dma_wait3A_1282 : memref<128x256xf32, #tpu.memory_space<hbm>>) dst(%arg12 : memref<128x256xf32, #tpu.memory_space<vmem>>)
      %scan3A_1283 = arith.constant 0 : i32
      %scan3A_1284 = arith.constant 0 : i32
      %scan3A_1285 = arith.constant 128 : i32
      %scan3A_1286 = arith.addi %scan3A_1284, %scan3A_1285 : i32
      %scan3A_1287 = arith.constant 1 : i32
      scf.for %scan3A_1289 = %scan3A_1284 to %scan3A_1286 step %scan3A_1287  : i32 {
        %get3A_1290 = arith.index_cast %scan3A_1289 : i32 to index
        %get3A_1291 = arith.constant 0 : index
        %get3A_1292 = tpu.vector_load %arg12[%get3A_1290, %get3A_1291] {strides = array<i32>} : memref<128x256xf32, #tpu.memory_space<vmem>>, vector<1x16xf32>,
        %get3A_1293 = vector.shape_cast %get3A_1292 : vector<1x16xf32> to vector<16xf32>
        %get3A_1294 = arith.index_cast %scan3A_1289 : i32 to index
        %get3A_1295 = arith.constant 0 : index
        %get3A_1296 = tpu.vector_load %arg13[%get3A_1294, %get3A_1295] {strides = array<i32>} : memref<128x256xf32, #tpu.memory_space<vmem>>, vector<1x16xf32>,
        %get3A_1297 = vector.shape_cast %get3A_1296 : vector<1x16xf32> to vector<16xf32>
        %add3A_1298 = arith.addf %get3A_1293, %get3A_1297 : vector<16xf32>
        %get3A_1299 = arith.index_cast %scan3A_1289 : i32 to index
        %get3A_1300 = arith.constant 0 : index
        %get3A_1301 = tpu.vector_load %arg14[%get3A_1299, %get3A_1300] {strides = array<i32>} : memref<128x256xf32, #tpu.memory_space<vmem>>, vector<1x16xf32>,
        %get3A_1302 = vector.shape_cast %get3A_1301 : vector<1x16xf32> to vector<16xf32>
        %add3A_1303 = arith.addf %add3A_1298, %get3A_1302 : vector<16xf32>
        %swap3A_1304 = arith.index_cast %scan3A_1289 : i32 to index
        %swap3A_1305 = arith.constant 0 : index
        %swap3A_1306 = tpu.vector_load %arg12[%swap3A_1304, %swap3A_1305] {strides = array<i32>} : memref<128x256xf32, #tpu.memory_space<vmem>>, vector<1x16xf32>,
        %swap3A_1307 = vector.shape_cast %swap3A_1306 : vector<1x16xf32> to vector<16xf32>
        %swap3A_1308 = vector.shape_cast %add3A_1303 : vector<16xf32> to vector<1x16xf32>
        tpu.vector_store %arg12[%swap3A_1304, %swap3A_1305], %swap3A_1308 {strides = array<i32>} : memref<128x256xf32, #tpu.memory_space<vmem>>, vector<1x16xf32>,
        %get3A_1309 = arith.index_cast %scan3A_1289 : i32 to index
        %get3A_1310 = arith.constant 16 : index
        %get3A_1311 = tpu.vector_load %arg12[%get3A_1309, %get3A_1310] {strides = array<i32>} : memref<128x256xf32, #tpu.memory_space<vmem>>, vector<1x16xf32>,
        %get3A_1312 = vector.shape_cast %get3A_1311 : vector<1x16xf32> to vector<16xf32>
        %get3A_1313 = arith.index_cast %scan3A_1289 : i32 to index
        %get3A_1314 = arith.constant 16 : index
        %get3A_1315 = tpu.vector_load %arg13[%get3A_1313, %get3A_1314] {strides = array<i32>} : memref<128x256xf32, #tpu.memory_space<vmem>>, vector<1x16xf32>,
        %get3A_1316 = vector.shape_cast %get3A_1315 : vector<1x16xf32> to vector<16xf32>
        %add3A_1317 = arith.addf %get3A_1312, %get3A_1316 : vector<16xf32>
        %get3A_1318 = arith.index_cast %scan3A_1289 : i32 to index
        %get3A_1319 = arith.constant 16 : index
        %get3A_1320 = tpu.vector_load %arg14[%get3A_1318, %get3A_1319] {strides = array<i32>} : memref<128x256xf32, #tpu.memory_space<vmem>>, vector<1x16xf32>,
        %get3A_1321 = vector.shape_cast %get3A_1320 : vector<1x16xf32> to vector<16xf32>
        %add3A_1322 = arith.addf %add3A_1317, %get3A_1321 : vector<16xf32>
        %swap3A_1323 = arith.index_cast %scan3A_1289 : i32 to index
        %swap3A_1324 = arith.constant 16 : index
        %swap3A_1325 = tpu.vector_load %arg12[%swap3A_1323, %swap3A_1324] {strides = array<i32>} : memref<128x256xf32, #tpu.memory_space<vmem>>, vector<1x16xf32>,
        %swap3A_1326 = vector.shape_cast %swap3A_1325 : vector<1x16xf32> to vector<16xf32>
        %swap3A_1327 = vector.shape_cast %add3A_1322 : vector<16xf32> to vector<1x16xf32>
        tpu.vector_store %arg12[%swap3A_1323, %swap3A_1324], %swap3A_1327 {strides = array<i32>} : memref<128x256xf32, #tpu.memory_space<vmem>>, vector<1x16xf32>,
        %get3A_1328 = arith.index_cast %scan3A_1289 : i32 to index
        %get3A_1329 = arith.constant 32 : index
        %get3A_1330 = tpu.vector_load %arg12[%get3A_1328, %get3A_1329] {strides = array<i32>} : memref<128x256xf32, #tpu.memory_space<vmem>>, vector<1x16xf32>,
        %get3A_1331 = vector.shape_cast %get3A_1330 : vector<1x16xf32> to vector<16xf32>
        %get3A_1332 = arith.index_cast %scan3A_1289 : i32 to index
        %get3A_1333 = arith.constant 32 : index
        %get3A_1334 = tpu.vector_load %arg13[%get3A_1332, %get3A_1333] {strides = array<i32>} : memref<128x256xf32, #tpu.memory_space<vmem>>, vector<1x16xf32>,
        %get3A_1335 = vector.shape_cast %get3A_1334 : vector<1x16xf32> to vector<16xf32>
        %add3A_1336 = arith.addf %get3A_1331, %get3A_1335 : vector<16xf32>
        %get3A_1337 = arith.index_cast %scan3A_1289 : i32 to index
        %get3A_1338 = arith.constant 32 : index
        %get3A_1339 = tpu.vector_load %arg14[%get3A_1337, %get3A_1338] {strides = array<i32>} : memref<128x256xf32, #tpu.memory_space<vmem>>, vector<1x16xf32>,
        %get3A_1340 = vector.shape_cast %get3A_1339 : vector<1x16xf32> to vector<16xf32>
        %add3A_1341 = arith.addf %add3A_1336, %get3A_1340 : vector<16xf32>
        %swap3A_1342 = arith.index_cast %scan3A_1289 : i32 to index
        %swap3A_1343 = arith.constant 32 : index
        %swap3A_1344 = tpu.vector_load %arg12[%swap3A_1342, %swap3A_1343] {strides = array<i32>} : memref<128x256xf32, #tpu.memory_space<vmem>>, vector<1x16xf32>,
        %swap3A_1345 = vector.shape_cast %swap3A_1344 : vector<1x16xf32> to vector<16xf32>
        %swap3A_1346 = vector.shape_cast %add3A_1341 : vector<16xf32> to vector<1x16xf32>
        tpu.vector_store %arg12[%swap3A_1342, %swap3A_1343], %swap3A_1346 {strides = array<i32>} : memref<128x256xf32, #tpu.memory_space<vmem>>, vector<1x16xf32>,
        %get3A_1347 = arith.index_cast %scan3A_1289 : i32 to index
        %get3A_1348 = arith.constant 48 : index
        %get3A_1349 = tpu.vector_load %arg12[%get3A_1347, %get3A_1348] {strides = array<i32>} : memref<128x256xf32, #tpu.memory_space<vmem>>, vector<1x16xf32>,
        %get3A_1350 = vector.shape_cast %get3A_1349 : vector<1x16xf32> to vector<16xf32>
        %get3A_1351 = arith.index_cast %scan3A_1289 : i32 to index
        %get3A_1352 = arith.constant 48 : index
        %get3A_1353 = tpu.vector_load %arg13[%get3A_1351, %get3A_1352] {strides = array<i32>} : memref<128x256xf32, #tpu.memory_space<vmem>>, vector<1x16xf32>,
        %get3A_1354 = vector.shape_cast %get3A_1353 : vector<1x16xf32> to vector<16xf32>
        %add3A_1355 = arith.addf %get3A_1350, %get3A_1354 : vector<16xf32>
        %get3A_1356 = arith.index_cast %scan3A_1289 : i32 to index
        %get3A_1357 = arith.constant 48 : index
        %get3A_1358 = tpu.vector_load %arg14[%get3A_1356, %get3A_1357] {strides = array<i32>} : memref<128x256xf32, #tpu.memory_space<vmem>>, vector<1x16xf32>,
        %get3A_1359 = vector.shape_cast %get3A_1358 : vector<1x16xf32> to vector<16xf32>
        %add3A_1360 = arith.addf %add3A_1355, %get3A_1359 : vector<16xf32>
        %swap3A_1361 = arith.index_cast %scan3A_1289 : i32 to index
        %swap3A_1362 = arith.constant 48 : index
        %swap3A_1363 = tpu.vector_load %arg12[%swap3A_1361, %swap3A_1362] {strides = array<i32>} : memref<128x256xf32, #tpu.memory_space<vmem>>, vector<1x16xf32>,
        %swap3A_1364 = vector.shape_cast %swap3A_1363 : vector<1x16xf32> to vector<16xf32>
        %swap3A_1365 = vector.shape_cast %add3A_1360 : vector<16xf32> to vector<1x16xf32>
        tpu.vector_store %arg12[%swap3A_1361, %swap3A_1362], %swap3A_1365 {strides = array<i32>} : memref<128x256xf32, #tpu.memory_space<vmem>>, vector<1x16xf32>,
        %get3A_1366 = arith.index_cast %scan3A_1289 : i32 to index
        %get3A_1367 = arith.constant 64 : index
        %get3A_1368 = tpu.vector_load %arg12[%get3A_1366, %get3A_1367] {strides = array<i32>} : memref<128x256xf32, #tpu.memory_space<vmem>>, vector<1x16xf32>,
        %get3A_1369 = vector.shape_cast %get3A_1368 : vector<1x16xf32> to vector<16xf32>
        %get3A_1370 = arith.index_cast %scan3A_1289 : i32 to index
        %get3A_1371 = arith.constant 64 : index
        %get3A_1372 = tpu.vector_load %arg13[%get3A_1370, %get3A_1371] {strides = array<i32>} : memref<128x256xf32, #tpu.memory_space<vmem>>, vector<1x16xf32>,
        %get3A_1373 = vector.shape_cast %get3A_1372 : vector<1x16xf32> to vector<16xf32>
        %add3A_1374 = arith.addf %get3A_1369, %get3A_1373 : vector<16xf32>
        %get3A_1375 = arith.index_cast %scan3A_1289 : i32 to index
        %get3A_1376 = arith.constant 64 : index
        %get3A_1377 = tpu.vector_load %arg14[%get3A_1375, %get3A_1376] {strides = array<i32>} : memref<128x256xf32, #tpu.memory_space<vmem>>, vector<1x16xf32>,
        %get3A_1378 = vector.shape_cast %get3A_1377 : vector<1x16xf32> to vector<16xf32>
        %add3A_1379 = arith.addf %add3A_1374, %get3A_1378 : vector<16xf32>
        %swap3A_1380 = arith.index_cast %scan3A_1289 : i32 to index
        %swap3A_1381 = arith.constant 64 : index
        %swap3A_1382 = tpu.vector_load %arg12[%swap3A_1380, %swap3A_1381] {strides = array<i32>} : memref<128x256xf32, #tpu.memory_space<vmem>>, vector<1x16xf32>,
        %swap3A_1383 = vector.shape_cast %swap3A_1382 : vector<1x16xf32> to vector<16xf32>
        %swap3A_1384 = vector.shape_cast %add3A_1379 : vector<16xf32> to vector<1x16xf32>
        tpu.vector_store %arg12[%swap3A_1380, %swap3A_1381], %swap3A_1384 {strides = array<i32>} : memref<128x256xf32, #tpu.memory_space<vmem>>, vector<1x16xf32>,
        %get3A_1385 = arith.index_cast %scan3A_1289 : i32 to index
        %get3A_1386 = arith.constant 80 : index
        %get3A_1387 = tpu.vector_load %arg12[%get3A_1385, %get3A_1386] {strides = array<i32>} : memref<128x256xf32, #tpu.memory_space<vmem>>, vector<1x16xf32>,
        %get3A_1388 = vector.shape_cast %get3A_1387 : vector<1x16xf32> to vector<16xf32>
        %get3A_1389 = arith.index_cast %scan3A_1289 : i32 to index
        %get3A_1390 = arith.constant 80 : index
        %get3A_1391 = tpu.vector_load %arg13[%get3A_1389, %get3A_1390] {strides = array<i32>} : memref<128x256xf32, #tpu.memory_space<vmem>>, vector<1x16xf32>,
        %get3A_1392 = vector.shape_cast %get3A_1391 : vector<1x16xf32> to vector<16xf32>
        %add3A_1393 = arith.addf %get3A_1388, %get3A_1392 : vector<16xf32>
        %get3A_1394 = arith.index_cast %scan3A_1289 : i32 to index
        %get3A_1395 = arith.constant 80 : index
        %get3A_1396 = tpu.vector_load %arg14[%get3A_1394, %get3A_1395] {strides = array<i32>} : memref<128x256xf32, #tpu.memory_space<vmem>>, vector<1x16xf32>,
        %get3A_1397 = vector.shape_cast %get3A_1396 : vector<1x16xf32> to vector<16xf32>
        %add3A_1398 = arith.addf %add3A_1393, %get3A_1397 : vector<16xf32>
        %swap3A_1399 = arith.index_cast %scan3A_1289 : i32 to index
        %swap3A_1400 = arith.constant 80 : index
        %swap3A_1401 = tpu.vector_load %arg12[%swap3A_1399, %swap3A_1400] {strides = array<i32>} : memref<128x256xf32, #tpu.memory_space<vmem>>, vector<1x16xf32>,
        %swap3A_1402 = vector.shape_cast %swap3A_1401 : vector<1x16xf32> to vector<16xf32>
        %swap3A_1403 = vector.shape_cast %add3A_1398 : vector<16xf32> to vector<1x16xf32>
        tpu.vector_store %arg12[%swap3A_1399, %swap3A_1400], %swap3A_1403 {strides = array<i32>} : memref<128x256xf32, #tpu.memory_space<vmem>>, vector<1x16xf32>,
        %get3A_1404 = arith.index_cast %scan3A_1289 : i32 to index
        %get3A_1405 = arith.constant 96 : index
        %get3A_1406 = tpu.vector_load %arg12[%get3A_1404, %get3A_1405] {strides = array<i32>} : memref<128x256xf32, #tpu.memory_space<vmem>>, vector<1x16xf32>,
        %get3A_1407 = vector.shape_cast %get3A_1406 : vector<1x16xf32> to vector<16xf32>
        %get3A_1408 = arith.index_cast %scan3A_1289 : i32 to index
        %get3A_1409 = arith.constant 96 : index
        %get3A_1410 = tpu.vector_load %arg13[%get3A_1408, %get3A_1409] {strides = array<i32>} : memref<128x256xf32, #tpu.memory_space<vmem>>, vector<1x16xf32>,
        %get3A_1411 = vector.shape_cast %get3A_1410 : vector<1x16xf32> to vector<16xf32>
        %add3A_1412 = arith.addf %get3A_1407, %get3A_1411 : vector<16xf32>
        %get3A_1413 = arith.index_cast %scan3A_1289 : i32 to index
        %get3A_1414 = arith.constant 96 : index
        %get3A_1415 = tpu.vector_load %arg14[%get3A_1413, %get3A_1414] {strides = array<i32>} : memref<128x256xf32, #tpu.memory_space<vmem>>, vector<1x16xf32>,
        %get3A_1416 = vector.shape_cast %get3A_1415 : vector<1x16xf32> to vector<16xf32>
        %add3A_1417 = arith.addf %add3A_1412, %get3A_1416 : vector<16xf32>
        %swap3A_1418 = arith.index_cast %scan3A_1289 : i32 to index
        %swap3A_1419 = arith.constant 96 : index
        %swap3A_1420 = tpu.vector_load %arg12[%swap3A_1418, %swap3A_1419] {strides = array<i32>} : memref<128x256xf32, #tpu.memory_space<vmem>>, vector<1x16xf32>,
        %swap3A_1421 = vector.shape_cast %swap3A_1420 : vector<1x16xf32> to vector<16xf32>
        %swap3A_1422 = vector.shape_cast %add3A_1417 : vector<16xf32> to vector<1x16xf32>
        tpu.vector_store %arg12[%swap3A_1418, %swap3A_1419], %swap3A_1422 {strides = array<i32>} : memref<128x256xf32, #tpu.memory_space<vmem>>, vector<1x16xf32>,
        %get3A_1423 = arith.index_cast %scan3A_1289 : i32 to index
        %get3A_1424 = arith.constant 112 : index
        %get3A_1425 = tpu.vector_load %arg12[%get3A_1423, %get3A_1424] {strides = array<i32>} : memref<128x256xf32, #tpu.memory_space<vmem>>, vector<1x16xf32>,
        %get3A_1426 = vector.shape_cast %get3A_1425 : vector<1x16xf32> to vector<16xf32>
        %get3A_1427 = arith.index_cast %scan3A_1289 : i32 to index
        %get3A_1428 = arith.constant 112 : index
        %get3A_1429 = tpu.vector_load %arg13[%get3A_1427, %get3A_1428] {strides = array<i32>} : memref<128x256xf32, #tpu.memory_space<vmem>>, vector<1x16xf32>,
        %get3A_1430 = vector.shape_cast %get3A_1429 : vector<1x16xf32> to vector<16xf32>
        %add3A_1431 = arith.addf %get3A_1426, %get3A_1430 : vector<16xf32>
        %get3A_1432 = arith.index_cast %scan3A_1289 : i32 to index
        %get3A_1433 = arith.constant 112 : index
        %get3A_1434 = tpu.vector_load %arg14[%get3A_1432, %get3A_1433] {strides = array<i32>} : memref<128x256xf32, #tpu.memory_space<vmem>>, vector<1x16xf32>,
        %get3A_1435 = vector.shape_cast %get3A_1434 : vector<1x16xf32> to vector<16xf32>
        %add3A_1436 = arith.addf %add3A_1431, %get3A_1435 : vector<16xf32>
        %swap3A_1437 = arith.index_cast %scan3A_1289 : i32 to index
        %swap3A_1438 = arith.constant 112 : index
        %swap3A_1439 = tpu.vector_load %arg12[%swap3A_1437, %swap3A_1438] {strides = array<i32>} : memref<128x256xf32, #tpu.memory_space<vmem>>, vector<1x16xf32>,
        %swap3A_1440 = vector.shape_cast %swap3A_1439 : vector<1x16xf32> to vector<16xf32>
        %swap3A_1441 = vector.shape_cast %add3A_1436 : vector<16xf32> to vector<1x16xf32>
        tpu.vector_store %arg12[%swap3A_1437, %swap3A_1438], %swap3A_1441 {strides = array<i32>} : memref<128x256xf32, #tpu.memory_space<vmem>>, vector<1x16xf32>,
        %get3A_1442 = arith.index_cast %scan3A_1289 : i32 to index
        %get3A_1443 = arith.constant 128 : index
        %get3A_1444 = tpu.vector_load %arg12[%get3A_1442, %get3A_1443] {strides = array<i32>} : memref<128x256xf32, #tpu.memory_space<vmem>>, vector<1x16xf32>,
        %get3A_1445 = vector.shape_cast %get3A_1444 : vector<1x16xf32> to vector<16xf32>
        %get3A_1446 = arith.index_cast %scan3A_1289 : i32 to index
        %get3A_1447 = arith.constant 128 : index
        %get3A_1448 = tpu.vector_load %arg13[%get3A_1446, %get3A_1447] {strides = array<i32>} : memref<128x256xf32, #tpu.memory_space<vmem>>, vector<1x16xf32>,
        %get3A_1449 = vector.shape_cast %get3A_1448 : vector<1x16xf32> to vector<16xf32>
        %add3A_1450 = arith.addf %get3A_1445, %get3A_1449 : vector<16xf32>
        %get3A_1451 = arith.index_cast %scan3A_1289 : i32 to index
        %get3A_1452 = arith.constant 128 : index
        %get3A_1453 = tpu.vector_load %arg14[%get3A_1451, %get3A_1452] {strides = array<i32>} : memref<128x256xf32, #tpu.memory_space<vmem>>, vector<1x16xf32>,
        %get3A_1454 = vector.shape_cast %get3A_1453 : vector<1x16xf32> to vector<16xf32>
        %add3A_1455 = arith.addf %add3A_1450, %get3A_1454 : vector<16xf32>
        %swap3A_1456 = arith.index_cast %scan3A_1289 : i32 to index
        %swap3A_1457 = arith.constant 128 : index
        %swap3A_1458 = tpu.vector_load %arg12[%swap3A_1456, %swap3A_1457] {strides = array<i32>} : memref<128x256xf32, #tpu.memory_space<vmem>>, vector<1x16xf32>,
        %swap3A_1459 = vector.shape_cast %swap3A_1458 : vector<1x16xf32> to vector<16xf32>
        %swap3A_1460 = vector.shape_cast %add3A_1455 : vector<16xf32> to vector<1x16xf32>
        tpu.vector_store %arg12[%swap3A_1456, %swap3A_1457], %swap3A_1460 {strides = array<i32>} : memref<128x256xf32, #tpu.memory_space<vmem>>, vector<1x16xf32>,
        %get3A_1461 = arith.index_cast %scan3A_1289 : i32 to index
        %get3A_1462 = arith.constant 144 : index
        %get3A_1463 = tpu.vector_load %arg12[%get3A_1461, %get3A_1462] {strides = array<i32>} : memref<128x256xf32, #tpu.memory_space<vmem>>, vector<1x16xf32>,
        %get3A_1464 = vector.shape_cast %get3A_1463 : vector<1x16xf32> to vector<16xf32>
        %get3A_1465 = arith.index_cast %scan3A_1289 : i32 to index
        %get3A_1466 = arith.constant 144 : index
        %get3A_1467 = tpu.vector_load %arg13[%get3A_1465, %get3A_1466] {strides = array<i32>} : memref<128x256xf32, #tpu.memory_space<vmem>>, vector<1x16xf32>,
        %get3A_1468 = vector.shape_cast %get3A_1467 : vector<1x16xf32> to vector<16xf32>
        %add3A_1469 = arith.addf %get3A_1464, %get3A_1468 : vector<16xf32>
        %get3A_1470 = arith.index_cast %scan3A_1289 : i32 to index
        %get3A_1471 = arith.constant 144 : index
        %get3A_1472 = tpu.vector_load %arg14[%get3A_1470, %get3A_1471] {strides = array<i32>} : memref<128x256xf32, #tpu.memory_space<vmem>>, vector<1x16xf32>,
        %get3A_1473 = vector.shape_cast %get3A_1472 : vector<1x16xf32> to vector<16xf32>
        %add3A_1474 = arith.addf %add3A_1469, %get3A_1473 : vector<16xf32>
        %swap3A_1475 = arith.index_cast %scan3A_1289 : i32 to index
        %swap3A_1476 = arith.constant 144 : index
        %swap3A_1477 = tpu.vector_load %arg12[%swap3A_1475, %swap3A_1476] {strides = array<i32>} : memref<128x256xf32, #tpu.memory_space<vmem>>, vector<1x16xf32>,
        %swap3A_1478 = vector.shape_cast %swap3A_1477 : vector<1x16xf32> to vector<16xf32>
        %swap3A_1479 = vector.shape_cast %add3A_1474 : vector<16xf32> to vector<1x16xf32>
        tpu.vector_store %arg12[%swap3A_1475, %swap3A_1476], %swap3A_1479 {strides = array<i32>} : memref<128x256xf32, #tpu.memory_space<vmem>>, vector<1x16xf32>,
        %get3A_1480 = arith.index_cast %scan3A_1289 : i32 to index
        %get3A_1481 = arith.constant 160 : index
        %get3A_1482 = tpu.vector_load %arg12[%get3A_1480, %get3A_1481] {strides = array<i32>} : memref<128x256xf32, #tpu.memory_space<vmem>>, vector<1x16xf32>,
        %get3A_1483 = vector.shape_cast %get3A_1482 : vector<1x16xf32> to vector<16xf32>
        %get3A_1484 = arith.index_cast %scan3A_1289 : i32 to index
        %get3A_1485 = arith.constant 160 : index
        %get3A_1486 = tpu.vector_load %arg13[%get3A_1484, %get3A_1485] {strides = array<i32>} : memref<128x256xf32, #tpu.memory_space<vmem>>, vector<1x16xf32>,
        %get3A_1487 = vector.shape_cast %get3A_1486 : vector<1x16xf32> to vector<16xf32>
        %add3A_1488 = arith.addf %get3A_1483, %get3A_1487 : vector<16xf32>
        %get3A_1489 = arith.index_cast %scan3A_1289 : i32 to index
        %get3A_1490 = arith.constant 160 : index
        %get3A_1491 = tpu.vector_load %arg14[%get3A_1489, %get3A_1490] {strides = array<i32>} : memref<128x256xf32, #tpu.memory_space<vmem>>, vector<1x16xf32>,
        %get3A_1492 = vector.shape_cast %get3A_1491 : vector<1x16xf32> to vector<16xf32>
        %add3A_1493 = arith.addf %add3A_1488, %get3A_1492 : vector<16xf32>
        %swap3A_1494 = arith.index_cast %scan3A_1289 : i32 to index
        %swap3A_1495 = arith.constant 160 : index
        %swap3A_1496 = tpu.vector_load %arg12[%swap3A_1494, %swap3A_1495] {strides = array<i32>} : memref<128x256xf32, #tpu.memory_space<vmem>>, vector<1x16xf32>,
        %swap3A_1497 = vector.shape_cast %swap3A_1496 : vector<1x16xf32> to vector<16xf32>
        %swap3A_1498 = vector.shape_cast %add3A_1493 : vector<16xf32> to vector<1x16xf32>
        tpu.vector_store %arg12[%swap3A_1494, %swap3A_1495], %swap3A_1498 {strides = array<i32>} : memref<128x256xf32, #tpu.memory_space<vmem>>, vector<1x16xf32>,
        %get3A_1499 = arith.index_cast %scan3A_1289 : i32 to index
        %get3A_1500 = arith.constant 176 : index
        %get3A_1501 = tpu.vector_load %arg12[%get3A_1499, %get3A_1500] {strides = array<i32>} : memref<128x256xf32, #tpu.memory_space<vmem>>, vector<1x16xf32>,
        %get3A_1502 = vector.shape_cast %get3A_1501 : vector<1x16xf32> to vector<16xf32>
        %get3A_1503 = arith.index_cast %scan3A_1289 : i32 to index
        %get3A_1504 = arith.constant 176 : index
        %get3A_1505 = tpu.vector_load %arg13[%get3A_1503, %get3A_1504] {strides = array<i32>} : memref<128x256xf32, #tpu.memory_space<vmem>>, vector<1x16xf32>,
        %get3A_1506 = vector.shape_cast %get3A_1505 : vector<1x16xf32> to vector<16xf32>
        %add3A_1507 = arith.addf %get3A_1502, %get3A_1506 : vector<16xf32>
        %get3A_1508 = arith.index_cast %scan3A_1289 : i32 to index
        %get3A_1509 = arith.constant 176 : index
        %get3A_1510 = tpu.vector_load %arg14[%get3A_1508, %get3A_1509] {strides = array<i32>} : memref<128x256xf32, #tpu.memory_space<vmem>>, vector<1x16xf32>,
        %get3A_1511 = vector.shape_cast %get3A_1510 : vector<1x16xf32> to vector<16xf32>
        %add3A_1512 = arith.addf %add3A_1507, %get3A_1511 : vector<16xf32>
        %swap3A_1513 = arith.index_cast %scan3A_1289 : i32 to index
        %swap3A_1514 = arith.constant 176 : index
        %swap3A_1515 = tpu.vector_load %arg12[%swap3A_1513, %swap3A_1514] {strides = array<i32>} : memref<128x256xf32, #tpu.memory_space<vmem>>, vector<1x16xf32>,
        %swap3A_1516 = vector.shape_cast %swap3A_1515 : vector<1x16xf32> to vector<16xf32>
        %swap3A_1517 = vector.shape_cast %add3A_1512 : vector<16xf32> to vector<1x16xf32>
        tpu.vector_store %arg12[%swap3A_1513, %swap3A_1514], %swap3A_1517 {strides = array<i32>} : memref<128x256xf32, #tpu.memory_space<vmem>>, vector<1x16xf32>,
        %get3A_1518 = arith.index_cast %scan3A_1289 : i32 to index
        %get3A_1519 = arith.constant 192 : index
        %get3A_1520 = tpu.vector_load %arg12[%get3A_1518, %get3A_1519] {strides = array<i32>} : memref<128x256xf32, #tpu.memory_space<vmem>>, vector<1x16xf32>,
        %get3A_1521 = vector.shape_cast %get3A_1520 : vector<1x16xf32> to vector<16xf32>
        %get3A_1522 = arith.index_cast %scan3A_1289 : i32 to index
        %get3A_1523 = arith.constant 192 : index
        %get3A_1524 = tpu.vector_load %arg13[%get3A_1522, %get3A_1523] {strides = array<i32>} : memref<128x256xf32, #tpu.memory_space<vmem>>, vector<1x16xf32>,
        %get3A_1525 = vector.shape_cast %get3A_1524 : vector<1x16xf32> to vector<16xf32>
        %add3A_1526 = arith.addf %get3A_1521, %get3A_1525 : vector<16xf32>
        %get3A_1527 = arith.index_cast %scan3A_1289 : i32 to index
        %get3A_1528 = arith.constant 192 : index
        %get3A_1529 = tpu.vector_load %arg14[%get3A_1527, %get3A_1528] {strides = array<i32>} : memref<128x256xf32, #tpu.memory_space<vmem>>, vector<1x16xf32>,
        %get3A_1530 = vector.shape_cast %get3A_1529 : vector<1x16xf32> to vector<16xf32>
        %add3A_1531 = arith.addf %add3A_1526, %get3A_1530 : vector<16xf32>
        %swap3A_1532 = arith.index_cast %scan3A_1289 : i32 to index
        %swap3A_1533 = arith.constant 192 : index
        %swap3A_1534 = tpu.vector_load %arg12[%swap3A_1532, %swap3A_1533] {strides = array<i32>} : memref<128x256xf32, #tpu.memory_space<vmem>>, vector<1x16xf32>,
        %swap3A_1535 = vector.shape_cast %swap3A_1534 : vector<1x16xf32> to vector<16xf32>
        %swap3A_1536 = vector.shape_cast %add3A_1531 : vector<16xf32> to vector<1x16xf32>
        tpu.vector_store %arg12[%swap3A_1532, %swap3A_1533], %swap3A_1536 {strides = array<i32>} : memref<128x256xf32, #tpu.memory_space<vmem>>, vector<1x16xf32>,
        %get3A_1537 = arith.index_cast %scan3A_1289 : i32 to index
        %get3A_1538 = arith.constant 208 : index
        %get3A_1539 = tpu.vector_load %arg12[%get3A_1537, %get3A_1538] {strides = array<i32>} : memref<128x256xf32, #tpu.memory_space<vmem>>, vector<1x16xf32>,
        %get3A_1540 = vector.shape_cast %get3A_1539 : vector<1x16xf32> to vector<16xf32>
        %get3A_1541 = arith.index_cast %scan3A_1289 : i32 to index
        %get3A_1542 = arith.constant 208 : index
        %get3A_1543 = tpu.vector_load %arg13[%get3A_1541, %get3A_1542] {strides = array<i32>} : memref<128x256xf32, #tpu.memory_space<vmem>>, vector<1x16xf32>,
        %get3A_1544 = vector.shape_cast %get3A_1543 : vector<1x16xf32> to vector<16xf32>
        %add3A_1545 = arith.addf %get3A_1540, %get3A_1544 : vector<16xf32>
        %get3A_1546 = arith.index_cast %scan3A_1289 : i32 to index
        %get3A_1547 = arith.constant 208 : index
        %get3A_1548 = tpu.vector_load %arg14[%get3A_1546, %get3A_1547] {strides = array<i32>} : memref<128x256xf32, #tpu.memory_space<vmem>>, vector<1x16xf32>,
        %get3A_1549 = vector.shape_cast %get3A_1548 : vector<1x16xf32> to vector<16xf32>
        %add3A_1550 = arith.addf %add3A_1545, %get3A_1549 : vector<16xf32>
        %swap3A_1551 = arith.index_cast %scan3A_1289 : i32 to index
        %swap3A_1552 = arith.constant 208 : index
        %swap3A_1553 = tpu.vector_load %arg12[%swap3A_1551, %swap3A_1552] {strides = array<i32>} : memref<128x256xf32, #tpu.memory_space<vmem>>, vector<1x16xf32>,
        %swap3A_1554 = vector.shape_cast %swap3A_1553 : vector<1x16xf32> to vector<16xf32>
        %swap3A_1555 = vector.shape_cast %add3A_1550 : vector<16xf32> to vector<1x16xf32>
        tpu.vector_store %arg12[%swap3A_1551, %swap3A_1552], %swap3A_1555 {strides = array<i32>} : memref<128x256xf32, #tpu.memory_space<vmem>>, vector<1x16xf32>,
        %get3A_1556 = arith.index_cast %scan3A_1289 : i32 to index
        %get3A_1557 = arith.constant 224 : index
        %get3A_1558 = tpu.vector_load %arg12[%get3A_1556, %get3A_1557] {strides = array<i32>} : memref<128x256xf32, #tpu.memory_space<vmem>>, vector<1x16xf32>,
        %get3A_1559 = vector.shape_cast %get3A_1558 : vector<1x16xf32> to vector<16xf32>
        %get3A_1560 = arith.index_cast %scan3A_1289 : i32 to index
        %get3A_1561 = arith.constant 224 : index
        %get3A_1562 = tpu.vector_load %arg13[%get3A_1560, %get3A_1561] {strides = array<i32>} : memref<128x256xf32, #tpu.memory_space<vmem>>, vector<1x16xf32>,
        %get3A_1563 = vector.shape_cast %get3A_1562 : vector<1x16xf32> to vector<16xf32>
        %add3A_1564 = arith.addf %get3A_1559, %get3A_1563 : vector<16xf32>
        %get3A_1565 = arith.index_cast %scan3A_1289 : i32 to index
        %get3A_1566 = arith.constant 224 : index
        %get3A_1567 = tpu.vector_load %arg14[%get3A_1565, %get3A_1566] {strides = array<i32>} : memref<128x256xf32, #tpu.memory_space<vmem>>, vector<1x16xf32>,
        %get3A_1568 = vector.shape_cast %get3A_1567 : vector<1x16xf32> to vector<16xf32>
        %add3A_1569 = arith.addf %add3A_1564, %get3A_1568 : vector<16xf32>
        %swap3A_1570 = arith.index_cast %scan3A_1289 : i32 to index
        %swap3A_1571 = arith.constant 224 : index
        %swap3A_1572 = tpu.vector_load %arg12[%swap3A_1570, %swap3A_1571] {strides = array<i32>} : memref<128x256xf32, #tpu.memory_space<vmem>>, vector<1x16xf32>,
        %swap3A_1573 = vector.shape_cast %swap3A_1572 : vector<1x16xf32> to vector<16xf32>
        %swap3A_1574 = vector.shape_cast %add3A_1569 : vector<16xf32> to vector<1x16xf32>
        tpu.vector_store %arg12[%swap3A_1570, %swap3A_1571], %swap3A_1574 {strides = array<i32>} : memref<128x256xf32, #tpu.memory_space<vmem>>, vector<1x16xf32>,
        %get3A_1575 = arith.index_cast %scan3A_1289 : i32 to index
        %get3A_1576 = arith.constant 240 : index
        %get3A_1577 = tpu.vector_load %arg12[%get3A_1575, %get3A_1576] {strides = array<i32>} : memref<128x256xf32, #tpu.memory_space<vmem>>, vector<1x16xf32>,
        %get3A_1578 = vector.shape_cast %get3A_1577 : vector<1x16xf32> to vector<16xf32>
        %get3A_1579 = arith.index_cast %scan3A_1289 : i32 to index
        %get3A_1580 = arith.constant 240 : index
        %get3A_1581 = tpu.vector_load %arg13[%get3A_1579, %get3A_1580] {strides = array<i32>} : memref<128x256xf32, #tpu.memory_space<vmem>>, vector<1x16xf32>,
        %get3A_1582 = vector.shape_cast %get3A_1581 : vector<1x16xf32> to vector<16xf32>
        %add3A_1583 = arith.addf %get3A_1578, %get3A_1582 : vector<16xf32>
        %get3A_1584 = arith.index_cast %scan3A_1289 : i32 to index
        %get3A_1585 = arith.constant 240 : index
        %get3A_1586 = tpu.vector_load %arg14[%get3A_1584, %get3A_1585] {strides = array<i32>} : memref<128x256xf32, #tpu.memory_space<vmem>>, vector<1x16xf32>,
        %get3A_1587 = vector.shape_cast %get3A_1586 : vector<1x16xf32> to vector<16xf32>
        %add3A_1588 = arith.addf %add3A_1583, %get3A_1587 : vector<16xf32>
        %swap3A_1589 = arith.index_cast %scan3A_1289 : i32 to index
        %swap3A_1590 = arith.constant 240 : index
        %swap3A_1591 = tpu.vector_load %arg12[%swap3A_1589, %swap3A_1590] {strides = array<i32>} : memref<128x256xf32, #tpu.memory_space<vmem>>, vector<1x16xf32>,
        %swap3A_1592 = vector.shape_cast %swap3A_1591 : vector<1x16xf32> to vector<16xf32>
        %swap3A_1593 = vector.shape_cast %add3A_1588 : vector<16xf32> to vector<1x16xf32>
        tpu.vector_store %arg12[%swap3A_1589, %swap3A_1590], %swap3A_1593 {strides = array<i32>} : memref<128x256xf32, #tpu.memory_space<vmem>>, vector<1x16xf32>,
      }
      %scan3A_1288 = arith.constant 128 : i32
      "tpu.region"() ({
        %run_scoped3A = tpu.sem_alloc : memref<!tpu.dma_semaphore, #tpu.memory_space<semaphore_mem>>
        %dma_start3A_1289 = arith.constant 0 : i32
        %dma_start3A_1290 = tpu.memref_slice %arg7[%add3A_11, %dma_start3A_1289] : memref<65536x256xf32, #tpu.memory_space<hbm>> -> memref<128x256xf32, #tpu.memory_space<hbm>>
        %dma_start3A_1291 = arith.constant 0 : i32
        %dma_start3A_1292 = tpu.memref_slice %arg7[%add3A_11, %dma_start3A_1291] : memref<65536x256xf32, #tpu.memory_space<hbm>> -> memref<128x256xf32, #tpu.memory_space<hbm>>
        tpu.enqueue_dma source(%arg12 : memref<128x256xf32, #tpu.memory_space<vmem>>) target(%dma_start3A_1292 : memref<128x256xf32, #tpu.memory_space<hbm>>) target_semaphore(%run_scoped3A : memref<!tpu.dma_semaphore, #tpu.memory_space<semaphore_mem>>)
        %dma_wait3A_1293 = arith.constant 0 : i32
        %dma_wait3A_1294 = tpu.memref_slice %arg7[%add3A_11, %dma_wait3A_1293] : memref<65536x256xf32, #tpu.memory_space<hbm>> -> memref<128x256xf32, #tpu.memory_space<hbm>>
        %dma_wait3A_1295 = arith.constant 0 : i32
        %dma_wait3A_1296 = tpu.memref_slice %arg7[%add3A_11, %dma_wait3A_1295] : memref<65536x256xf32, #tpu.memory_space<hbm>> -> memref<128x256xf32, #tpu.memory_space<hbm>>
        tpu.wait_dma2 semaphore(%run_scoped3A : memref<!tpu.dma_semaphore, #tpu.memory_space<semaphore_mem>>) src(%arg12 : memref<128x256xf32, #tpu.memory_space<vmem>>) dst(%dma_wait3A_1296 : memref<128x256xf32, #tpu.memory_space<hbm>>)
        tpu.yield
      }) : () -> ()
    }
    %scan3A_7 = arith.constant 16 : i32
    return
  }
}

</mosaic_0001>

<sc_bundles>
// kernel: kernel.3.cloned.1.call-start
scs
__scs_entry_jumppad:
0x0: {  	(pc) =	sbr.rel $0x88, $3  }
0x1: {  	(tag) =	ssettag $0x0;
	lr =	simm.s32 $0x1  }
0x2: {  	[smem:$0x3F9C] =	sst lr;
	_ =	strace $0xD0000000  }
0x3: {  	_ = 	snop  }
0x4: {  	_ = 	snop  }
0x5: {  	_ = 	snop  }
0x6: {  	_ = 	snop  }
0x7: {  	_ = 	snop  }
__scs_overlays_trampoline_lowered:
0x8: {  	[smem:$0x3FAB] =	sst s0  }
0x9: {  	[smem:$0x3FAC] =	sst s1  }
0xa: {  	[smem:$0x3FAD] =	sst s2  }
0xb: {  	[smem:$0x3FAE] =	sst s3  }
0xc: {  	[smem:$0x3FAF] =	sst s4  }
0xd: {  	[smem:$0x3FB0] =	sst s5  }
0xe: {  	[smem:$0x3FB1] =	sst s6  }
0xf: {  	[smem:$0x3FB2] =	sst s7  }
0x10: {  	[smem:$0x3FB3] =	sst s8  }
0x11: {  	[smem:$0x3FB4] =	sst s9;
	s0 =	simm.s32 @!p0 $0x0  }
0x12: {  	s1 =	sld [smem:$0x3F9A];
	s0 =	simm.s32 @p0 $0x1  }
0x13: {  	[smem:$0x3FB5] =	sst s0;
	s0 =	simm.s32 @!p1 $0x0  }
0x14: {  	s2 =	sld [smem:$0x3F99];
	s0 =	simm.s32 @p1 $0x1  }
0x15: {  	[smem:$0x3FB6] =	sst s0;
	s0 =	simm.s32 @!p2 $0x0  }
0x16: {  	s3 =	sld [smem:$0x3FDB];
	s0 =	simm.s32 @p2 $0x1  }
0x17: {  	s4 =	simm.s32 $0x1BF5;
	[smem:$0x3FB8] =	sst s0  }
0x18: {  	s0 =	sld [smem:$0x3F9B];
	_ =	swait.ge [sflag:s4], $0x0  }
0x19: {  	s7 =	sld [smem:$0x3F9C]  }
0x1a: {  	s8 =	sadd.s32 $0xFFFFE003, lr  }
0x1b: {  	s9 =	sadd.s32 $0xFFFFFEF7, lr;
	s5 =	simm.s32 $0xFFFFFFFF;
	p2 =	slt.u32 s8, $0xFFFFF086  }
0x1c: {  	p1 =	slt.u32 s9, $0xF7A;
	s5 =	simm.s32 @!p2 $0x0  }
0x1d: {  	s5 =	simm.s32 @p1 $0x1;
	p0 =	seq.s32 s7, s2  }
0x1e: {  	s7 =	smul.u32 @!p0 $0xF7A, s2;
	p2 =	seq.s32 @!p0 s5, $0x0  }
0x1f: {  	s9 =	smul.u32 $0xF7A, s1;
	s8 =	simm.s32 @!p0 $0x1BF5;
	p2 =	por !p2, p0  }
0x20: {  	[sflag:s8] =	ssyncset.s32 @!p0 $0xFFFFF086;
	s6 =	sadd.s32 @!p0 s3, s7;
	s7 =	simm.s32 @!p0 $0x108  }
0x21: {  	s3 =	sadd.s32 s3, s9;
	s6 =	sadd.s32 @!p0 $0x88, s6;
	s7 =	simm.s32 @p2 $0x1082  }
0x22: {  	[simem:s7], [sflag:s8] =	dma.local @!p0 [hbm:s6], $0xF7A  }
0x23: {  	s9 =	sor.u32 $0xD0000000, s2;
	s6 =	simm.s32 $0x108;
	_ =	swait.ge @!p0 [sflag:s8], $0x0  }
0x24: {  	s3 =	sadd.s32 $0x88, s3;
	s6 =	simm.s32 @!p1 $0x1082;
	[sflag:s4] =	ssyncset.s32 $0xFFFFF086  }
0x25: {  	[simem:s6], [sflag:s4] =	dma.local [hbm:s3], $0xF7A  }
0x26: {  	[smem:$0x3F9C] =	sst s1;
	(tag) =	ssettag s2;
	_ =	strace s9  }
0x27: {  	s1 =	sld [smem:$0x3FAC]  }
0x28: {  	s2 =	sld [smem:$0x3FAD]  }
0x29: {  	s4 =	sld [smem:$0x3FAF]  }
0x2a: {  	p0 =	seq.s32 s5, $0x0;
	s5 =	sld [smem:$0x3FB0]  }
0x2b: {  	s6 =	sld [smem:$0x3FB1]  }
0x2c: {  	s7 =	sld [smem:$0x3FB2]  }
0x2d: {  	s3 =	simm.s32 $0x108;
	s8 =	sld [smem:$0x3FB3]  }
0x2e: {  	s3 =	simm.s32 @!p0 $0x1082;
	s9 =	sld [smem:$0x3FB4]  }
0x2f: {  	lr =	sadd.s32 s0, s3;
	s0 =	sld [smem:$0x3FAB]  }
0x30: {  	s3 =	sld [smem:$0x3FAE]  }
0x31: {  	[smem:$0x3FB7] =	sst s10  }
0x32: {  	s10 =	sld [smem:$0x3FB5];
	_ =	sdelay $0x3  }
0x33: {  	p0 =	seq.s32 s10, $0x1;
	s10 =	sld [smem:$0x3FB7];
	_ =	sdelay $0x3  }
0x34: {  	[smem:$0x3FB7] =	sst s10  }
0x35: {  	s10 =	sld [smem:$0x3FB6];
	_ =	sdelay $0x3  }
0x36: {  	p1 =	seq.s32 s10, $0x1;
	s10 =	sld [smem:$0x3FB7];
	_ =	sdelay $0x3  }
0x37: {  	[smem:$0x3FB7] =	sst s10  }
0x38: {  	s10 =	sld [smem:$0x3FB8]  }
0x39: {  	_ = 	snop;
	(pc) =	sbr.ind lr, $3  }
0x3a: {  	_ = 	snop  }
0x3b: {  	_ = 	snop  }
0x3c: {  	p2 =	seq.s32 s10, $0x1;
	s10 =	sld [smem:$0x3FB7]  }
0x3d: {  	_ =	shalt  }
0x3e: {  	_ =	shalt  }
0x3f: {  	_ =	shalt  }
0x40: {  	_ =	shalt  }
0x41: {  	_ =	shalt  }
0x42: {  	_ =	shalt  }
0x43: {  	_ =	shalt  }
0x44: {  	_ =	shalt  }
0x45: {  	_ =	shalt  }
0x46: {  	_ =	shalt  }
0x47: {  	_ =	shalt  }
0x48: {  	_ =	shalt  }
0x49: {  	_ =	shalt  }
0x4a: {  	_ =	shalt  }
0x4b: {  	_ =	shalt  }
0x4c: {  	_ =	shalt  }
0x4d: {  	_ =	shalt  }
0x4e: {  	_ =	shalt  }
0x4f: {  	_ =	shalt  }
0x50: {  	_ =	shalt  }
0x51: {  	_ =	shalt  }
0x52: {  	_ =	shalt  }
0x53: {  	_ =	shalt  }
0x54: {  	_ =	shalt  }
0x55: {  	_ =	shalt  }
0x56: {  	_ =	shalt  }
0x57: {  	_ =	shalt  }
0x58: {  	_ =	shalt  }
0x59: {  	_ =	shalt  }
0x5a: {  	_ =	shalt  }
0x5b: {  	_ =	shalt  }
0x5c: {  	_ =	shalt  }
0x5d: {  	_ =	shalt  }
0x5e: {  	_ =	shalt  }
0x5f: {  	_ =	shalt  }
0x60: {  	_ =	shalt  }
0x61: {  	_ =	shalt  }
0x62: {  	_ =	shalt  }
0x63: {  	_ =	shalt  }
0x64: {  	_ =	shalt  }
0x65: {  	_ =	shalt  }
0x66: {  	_ =	shalt  }
0x67: {  	_ =	shalt  }
0x68: {  	_ =	shalt  }
0x69: {  	_ =	shalt  }
0x6a: {  	_ =	shalt  }
0x6b: {  	_ =	shalt  }
0x6c: {  	_ =	shalt  }
0x6d: {  	_ =	shalt  }
0x6e: {  	_ =	shalt  }
0x6f: {  	_ =	shalt  }
0x70: {  	_ =	shalt  }
0x71: {  	_ =	shalt  }
0x72: {  	_ =	shalt  }
0x73: {  	_ =	shalt  }
0x74: {  	_ =	shalt  }
0x75: {  	_ =	shalt  }
0x76: {  	_ =	shalt  }
0x77: {  	_ =	shalt  }
0x78: {  	_ =	shalt  }
0x79: {  	_ =	shalt  }
0x7a: {  	_ =	shalt  }
0x7b: {  	_ =	shalt  }
0x7c: {  	_ =	shalt  }
0x7d: {  	_ =	shalt  }
0x7e: {  	_ =	shalt  }
0x7f: {  	_ =	shalt  }
0x80: {  	_ =	shalt  }
0x81: {  	_ =	shalt  }
0x82: {  	_ =	shalt  }
0x83: {  	_ =	shalt  }
0x84: {  	_ =	shalt  }
0x85: {  	_ =	shalt  }
0x86: {  	_ =	shalt  }
0x87: {  	_ =	shalt  }
.Lfunc_end0:
.L_simem_size_0:
called_computation_lowered:
.L_overlay_start_0:
0x88: {  	s2 =	sld [smem:$0x3FD9]  }
0x89: {  	s3 =	sld [smem:$0x3FFE];
	_ =	sdelay $0x1  }
0x8a: {  	s1 =	srdreg.scid  }
0x8b: {  	s0 =	sand.u32 $0x1, s1  }
0x8c: {  	s14 =	sshll.u32 s0, $0xA;
	s2 =	sadd.s32 s3, s2  }
0x8d: {  	s2 =	sadd.s32 s2, s14  }
0x8e: {  	[smem:$0x3FC3] =	sst s2  }
0x8f: {  	_ = 	snop  }
0x90: {  	s2 =	sld [smem:$0x3FD0]  }
0x91: {  	s15 =	sld [smem:$0x3FC9]  }
0x92: {  	s4 =	sld [smem:$0x3FC6]  }
0x93: {  	s6 =	simm.s32 $0xA;
	s7 =	simm.s32 $0x10;
	s5 =	sld [smem:$0x3FC5]  }
0x94: {  	[smem:s7], [sflag:s6] =	dma.local [hbm:s2], $0x1  }
0x95: {  	_ =	swait.eq [sflag:s6], $0x1  }
0x96: {  	[sflag:s6] =	ssyncset.done $0x0  }
0x97: {  	[sflag:s6] =	ssyncadd.s32 $0xFFFFFFFF  }
0x98: {  	s16 =	sld [smem:$0x10];
	(tm) =	ssettm $0x1  }
0x99: {  	s17 =	sld [smem:$0x3FFB];
	_ =	sdelay $0x3  }
0x9a: {  	_ =	strace s17  }
0x9b: {  	s6 =	sld [smem:$0x3FFC];
	_ =	sdelay $0x3  }
0x9c: {  	_ =	strace s6  }
0x9d: {  	s6 =	sld [smem:$0x3FFD];
	_ =	sdelay $0x3  }
0x9e: {  	_ =	strace s6  }
0x9f: {  	_ =	strace $0x8FFFFFFF  }
0xa0: {  	s18 =	sld [smem:$0x3FDB];
	_ =	sdelay $0x1  }
0xa1: {  	s19 =	simm.s32 $_scs_section_size  }
0xa2: {  	s8 =	simm.s32 $_size__tile_overlayer_lowered;
	s9 =	simm.s32 $_tile_overlayer_lowered  }
0xa3: {  	s22 =	simm.s32 $0x1BFF;
	s21 =	sshll.u32 s9, $0x1;
	s6 =	sadd.s32 s19, s18  }
0xa4: {  	s10 =	simm.s32 $0x0;
	s20 =	sshll.u32 s8, $0x1;
	s8 =	sadd.s32 s21, s6  }
0xa5: {  	[timem:s10], [sflag:s22] =	dma.local [hbm:s8], s20  }
0xa6: {  	_ =	swait.ge [sflag:s22], s20  }
0xa7: {  	s7 =	ssub.s32 $0x0, s20;
	[sflag:s22] =	ssyncset.done $0x0  }
0xa8: {  	[sflag:s22] =	ssyncadd.s32 s7;
	_ =	sdelay $0x1  }
0xa9: {  	s23 =	simm.s32 $0x1B8B  }
0xaa: {  	_ =	swait.ge [sflag:s23], $0x1  }
0xab: {  	[sflag:s23] =	ssyncset.done $0x0  }
0xac: {  	s25 =	simm.s32 $0x1B8E;
	s24 =	sld [smem:$0x3FFE];
	[sflag:s23] =	ssyncadd.s32 $0xFFFFFFFF  }
0xad: {  	s26 =	simm.s32 $execute0_lowered;
	[smem:$0x3FD2] =	sst s25  }
0xae: {  	s8 =	sshll.u32 s26, $0x1;
	_ =	strace $0x80000046;
	[dreg:$0x1] =	wrdreg $0xFFFFFFFF  }
0xaf: {  	s28 =	simm.s32 $_size_execute0_lowered;
	s6 =	sadd.s32 s6, s8;
	[dreg:$0x0] =	wrdreg $0x0  }
0xb0: {  	s8 =	sshll.u32 s28, $0x1;
	[dreg:$0x2] =	wrdreg s6  }
0xb1: {  	[dreg:$0x3] =	wrdreg s8  }
0xb2: {  	[dreg:$0x4] =	wrdreg $0xC0  }
0xb3: {  	_ =	task [dreg:s10], $0x5FFFF  }
0xb4: {  	[dreg:$0x1] =	wrdreg $0xFFFFFFFF  }
0xb5: {  	[dreg:$0x0] =	wrdreg $0x60  }
0xb6: {  	[dreg:$0x2] =	wrdreg s15  }
0xb7: {  	[dreg:$0x3] =	wrdreg s24  }
0xb8: {  	[dreg:$0x4] =	wrdreg s4  }
0xb9: {  	[dreg:$0x5] =	wrdreg s5  }
0xba: {  	[dreg:$0x6] =	wrdreg s16  }
0xbb: {  	[dreg:$0x7] =	wrdreg $0x9  }
0xbc: {  	_ =	task.clear_ibuf [dreg:s10], $0x8FFFF;
	_ =	strace $0x90000046  }
0xbd: {  	s29 =	simm.s32 $0x9;
	_ =	strace $0x80000048  }
0xbe: {  	_ =	swait.ge [sflag:s29], $0x1  }
0xbf: {  	[sflag:s29] =	ssyncadd.s32 $0xFFFFFFFF  }
0xc0: {  	_ =	strace $0x90000048  }
0xc1: {  	_ =	sfence  }
0xc2: {  	s30 =	sld [smem:$0x0];
	_ =	sdelay $0x2  }
0xc3: {  	s31 =	sshll.u32 s1, $0xD;
	s1 =	sshrl.u32 s1, $0x2  }
0xc4: {  	s3 =	sand.u32 $0x4000, s31;
	s1 =	sadd.s32 s1, s30  }
0xc5: {  	s0 =	sor.u32 s3, s0;
	s1 =	sshll.u32 s1, $0x11  }
0xc6: {  	s0 =	sor.u32 s1, s0  }
0xc7: {  	s0 =	sadd.s32 $0x8F2B, s0  }
0xc8: {  	[sflag:s0] =	ssyncadd.remote.s32 $0x1  }
0xc9: {  	_ =	sfence.sel $0xFFFF  }
0xca: {  	[dreg:$0x0] =	wrdreg $0xFFFFFFFF;
	(pc) =	sbr.abs _section_cstart, $3  }
0xcb: {  	[dreg:$0x1] =	wrdreg $0xFFFFFFFF  }
0xcc: {  	_ =	task.clear_ibuf [dreg:s10], $0x2FFFF;
	_ =	strace $0x9FFFFFFF  }
0xcd: {  	(tm) =	ssettm $0x7FFFFFFF  }
tec
execute0_lowered:
.L_overlay_start_1:
0x0: {  	(tag) =	ssettag $0x1  }
0x1: {  	s0 =	rddreg [dreg:$0x1]  }
0x2: {  	s2 =	rddreg [dreg:$0x2]  }
0x3: {  	s3 =	rddreg [dreg:$0x3];
	s1 =	simm.s32 $0x0  }
0x4: {  	s30 =	srdreg.scid;
	[smem:$0x7FF] =	sst s1  }
0x5: {  	s6 =	stileid.u32;
	s11 =	simm.s32 $0x3;
	v0 =	vimm.f32 $2.550000000e+02;
	_ =	strace $0x80000047  }
0x6: {  	s13 =	simm.s32 $0x200;
	s10 =	simm.s32 $0x11A00;
	s12 =	simm.s32 $0x13A00;
	(erf) = vrcp.f32 v0  }
0x7: {  	s14 =	simm.s32 $0x14200;
	s15 =	simm.s32 $0x14A00;
	s16 =	simm.s32 $0x15200  }
0x8: {  	s17 =	simm.s32 $0x15A00;
	s18 =	simm.s32 $0x16200;
	s19 =	simm.s32 $0x16A00  }
0x9: {  	s20 =	simm.s32 $0x17200;
	s21 =	simm.s32 $0x17A00;
	s22 =	simm.s32 $0x1  }
0xa: {  	s23 =	simm.s32 $0x2;
	s25 =	simm.s32 $0x0;
	s1 =	sand.u32 $0x1, s30  }
0xb: {  	s7 =	sadd.s32 $0x400, s0;
	s6 =	sshll.u32 s6, $0xC;
	s4 =	ssub.s32 $0x2, s1  }
0xc: {  	s8 =	sadd.s32 $0x2400, s0;
	s1 =	sshll.u32 s1, $0xB;
	s5 =	sshrl.u32 s4, $0x1  }
0xd: {  	v4 =	vlaneseq.u32;
	s9 =	sor.u32 s1, s6;
	s6 =	simm.s32 $0x11200;
	s31 =	ssub.s32 s4, s5  }
0xe: {  	vm0 =	vmmov $0xffff;
	v1 =	vand.u32 $0x7, v4;
	v3 =	vshrl.u32 v4, $0x3;
	s1 =	simm.s32 $0x12200;
	s4 =	simm.s32 $0x12A00;
	s0 =	smax.u32 s31, $0x1  }
0xf: {  	v4 =	vor.u32 $0x8, v4;
	v3 =	vmul.u32 $0x8, v3;
	v0 =	vimm.s32 $0x0;
	s5 =	simm.s32 $0x13200;
	[dreg:$0x6] =	wrdreg s0;
	s0 =	simm.s32 $0x10A00;
	v2 =	vpop (erf)  }
.LBB2_1:
0x10: {  	[dreg:$0x7] =	wrdreg s25;
	s24 =	simm.s32 $0x0  }
.LBB2_2:
0x11: {  	s25 =	sshll.u32 s24, $0x7  }
0x12: {  	s25 =	sadd.s32 s9, s25  }
0x13: {  	s28 =	sshrl.u32 s25, $0x3  }
0x14: {  	s26 =	simm.s32 $0x0;
	s29 =	sadd.s32 s7, s28  }
0x15: {  	[tilespmem:s26], [sflag:$0x3] =	stream.linear.gather [hbm4b:s29+s26], $0x80, $0x38;
	[tilespmem:$0x18200] =	vst v63  }
0x16: {  	_ =	swait.ge [sflag:s11], $0x80  }
0x17: {  	[sflag:s11] =	ssyncset.done $0x0  }
0x18: {  	s28 =	sadd.s32 s8, s28;
	s29 =	simm.s32 $0x80;
	[sflag:s11] =	ssyncadd.s32 $0xFFFFFF80  }
0x19: {  	[tilespmem:s29], [sflag:$0x3] =	stream.linear.gather [hbm4b:s28+s26], $0x80, $0x38;
	[tilespmem:$0x18200] =	vst v63  }
0x1a: {  	_ =	swait.ge [sflag:s11], $0x80  }
0x1b: {  	[sflag:s11] =	ssyncset.done $0x0  }
0x1c: {  	[sflag:s11] =	ssyncadd.s32 $0xFFFFFF80  }
0x1d: {  	s25 =	sshll.u32 s25, $0x5;
	s28 =	rddreg [dreg:$0x0]  }
0x1e: {  	s28 =	sadd.s32 s28, s25  }
0x1f: {  	[tilespmem:s13], [sflag:$0x2] =	stream.linear.gather [hbm4b:s28+s26], $0x8000, $0x38;
	[tilespmem:$0x18200] =	vst v63  }
0x20: {  	v5 =	vld [tilespmem:$0x0];
	_ =	sdelay $0x4  }
0x21: {  	v5 =	vmax.f32 v5, $5.000000000e+01  }
0x22: {  	v5 =	vmin.f32 v5, $4.000000000e+02  }
0x23: {  	v6 =	vadd.f32 $-5.000000000e+01, v5;
	_ =	sdelay $0x1  }
0x24: {  	v6 =	vmul.f32 $7.285714140e-01, v6;
	_ =	sdelay $0x1  }
0x25: {  	v6 =	vadd.f32 $5.000000000e-01, v6  }
0x26: {  	v7 =	vld [tilespmem:$0x80]  }
0x27: {  	v9 =	vld [tilespmem:$0x10];
	v6 =	vtrunc.f32 v6  }
0x28: {  	v6 =	vcvt.f32.s32 v6;
	_ =	sdelay $0x1  }
0x29: {  	vm1 =	vlt.s32 v6, $0xFF  }
0x2a: {  	v7 =	vmax.f32 v7, $0.0e+00;
	v6 =	vnsel vm1, $0xFF, v6  }
0x2b: {  	v9 =	vmax.f32 v9, $5.000000000e+01;
	v7 =	vmin.f32 v7, $1.000000000e+00;
	v8 =	vadd.s32 $0xFFFFFFFF, v6  }
0x2c: {  	v9 =	vmin.f32 v9, $4.000000000e+02;
	v11 =	vmul.f32 $2.550000000e+02, v7;
	vm1 =	vgt.s32 v8, $0x0  }
0x2d: {  	v14 =	vadd.f32 $-5.000000000e+01, v9;
	v6 =	vcvt.s32.f32 v6;
	v10 =	vnsel vm1, $0x0, v8  }
0x2e: {  	v11 =	vadd.f32 $5.000000000e-01, v11;
	v10 =	vcvt.s32.f32 v10  }
0x2f: {  	v14 =	vmul.f32 $7.285714140e-01, v14;
	v6 =	vmul.f32 v6, v2  }
0x30: {  	v11 =	vtrunc.f32 v11;
	v10 =	vmul.f32 v10, v2  }
0x31: {  	v11 =	vcvt.f32.s32 v11;
	v12 =	vsub.f32 $1.000000000e+00, v6  }
0x32: {  	v14 =	vadd.f32 $5.000000000e-01, v14;
	v13 =	vsub.f32 $1.000000000e+00, v10  }
0x33: {  	vm1 =	vlt.s32 v11, $0xFF;
	v6 =	vmul.f32 $4.000000000e+02, v6;
	v12 =	vmul.f32 $5.000000000e+01, v12  }
0x34: {  	v11 =	vnsel vm1, $0xFF, v11;
	v10 =	vmul.f32 $4.000000000e+02, v10;
	v13 =	vmul.f32 $5.000000000e+01, v13  }
0x35: {  	v6 =	vadd.f32 v12, v6;
	v12 =	vadd.s32 $0xFFFFFFFF, v11  }
0x36: {  	v14 =	vtrunc.f32 v14;
	vm2 =	vgt.s32 v12, $0x0;
	v10 =	vadd.f32 v13, v10  }
0x37: {  	v11 =	vcvt.s32.f32 v11;
	vm1 =	vlt.f32 v6, v5;
	v6 =	vld [tilespmem:$0x90];
	v15 =	vnsel vm2, $0x0, v12  }
0x38: {  	v13 =	vsel vm1, $0x1, v0;
	vm1 =	vlt.f32 v10, v5;
	v5 =	vcvt.s32.f32 v15  }
0x39: {  	v11 =	vmul.f32 v11, v2;
	v10 =	vcvt.f32.s32 v14  }
0x3a: {  	v8 =	vadd.s32 v13, v8;
	v5 =	vmul.f32 v5, v2  }
0x3b: {  	v15 =	vsub.f32 $1.000000000e+00, v11;
	v14 =	vsel vm1, $0x1, v0;
	vm1 =	vlt.s32 v10, $0xFF  }
0x3c: {  	v6 =	vmax.f32 v6, $0.0e+00;
	v10 =	vnsel vm1, $0xFF, v10;
	v13 =	vsub.f32 $1.000000000e+00, v5  }
0x3d: {  	v8 =	vadd.s32 v14, v8;
	v6 =	vmin.f32 v6, $1.000000000e+00;
	v14 =	vadd.s32 $0xFFFFFFFF, v10  }
0x3e: {  	v16 =	vmul.f32 $2.550000000e+02, v6;
	vm1 =	vgt.s32 v14, $0x0;
	v13 =	vmul.f32 $0.0e+00, v13  }
0x3f: {  	v15 =	vmul.f32 $0.0e+00, v15;
	v17 =	vnsel vm1, $0x0, v14;
	vm1 =	vgt.s32 v8, $0x0  }
0x40: {  	v16 =	vadd.f32 $5.000000000e-01, v16;
	v17 =	vcvt.s32.f32 v17;
	v5 =	vadd.f32 v13, v5  }
0x41: {  	v10 =	vcvt.s32.f32 v10;
	v11 =	vadd.f32 v15, v11;
	v8 =	vnsel vm1, $0x0, v8  }
0x42: {  	v15 =	vtrunc.f32 v16;
	v16 =	vld [tilespmem:$0x20];
	v13 =	vmul.f32 v17, v2;
	vm1 =	vlt.f32 v5, v7  }
0x43: {  	v5 =	vmul.f32 v10, v2;
	v10 =	vcvt.f32.s32 v15;
	v15 =	vsel vm1, $0x1, v0  }
0x44: {  	vm1 =	vlt.f32 v11, v7;
	v7 =	vsub.f32 $1.000000000e+00, v13;
	v13 =	vmul.f32 $4.000000000e+02, v13  }
0x45: {  	v11 =	vsel vm1, $0x1, v0;
	v17 =	vsub.f32 $1.000000000e+00, v5;
	vm1 =	vlt.s32 v10, $0xFF  }
0x46: {  	v5 =	vmul.f32 $4.000000000e+02, v5;
	v7 =	vmul.f32 $5.000000000e+01, v7;
	v10 =	vnsel vm1, $0xFF, v10  }
0x47: {  	v16 =	vmax.f32 v16, $5.000000000e+01;
	v11 =	vadd.s32 v11, v12;
	v18 =	vadd.s32 $0xFFFFFFFF, v10  }
0x48: {  	v17 =	vmul.f32 $5.000000000e+01, v17;
	v16 =	vmin.f32 v16, $4.000000000e+02;
	vm1 =	vgt.s32 v18, $0x0  }
0x49: {  	v7 =	vadd.f32 v7, v13;
	v19 =	vadd.f32 $-5.000000000e+01, v16;
	v13 =	vnsel vm1, $0x0, v18  }
0x4a: {  	v11 =	vadd.s32 v15, v11;
	v5 =	vadd.f32 v17, v5;
	v12 =	vcvt.s32.f32 v13  }
0x4b: {  	vm1 =	vlt.f32 v7, v9;
	v7 =	vcvt.s32.f32 v10;
	v10 =	vmul.f32 $7.285714140e-01, v19  }
0x4c: {  	v13 =	vsel vm1, $0x1, v0;
	vm1 =	vlt.f32 v5, v9;
	v12 =	vmul.f32 v12, v2  }
0x4d: {  	v5 =	vmul.f32 v7, v2;
	v7 =	vadd.f32 $5.000000000e-01, v10;
	v9 =	vsel vm1, $0x1, v0  }
0x4e: {  	vm1 =	vgt.s32 v11, $0x0;
	v9 =	vadd.s32 v9, v14  }
0x4f: {  	v15 =	vld [tilespmem:$0xA0];
	v10 =	vsub.f32 $1.000000000e+00, v12;
	v14 =	vsub.f32 $1.000000000e+00, v5;
	v7 =	vtrunc.f32 v7  }
0x50: {  	v11 =	vnsel vm1, $0x0, v11;
	v9 =	vadd.s32 v13, v9;
	v7 =	vcvt.f32.s32 v7  }
0x51: {  	vm1 =	vgt.s32 v9, $0x0;
	v10 =	vmul.f32 $0.0e+00, v10;
	v13 =	vmul.f32 $0.0e+00, v14  }
0x52: {  	v9 =	vnsel vm1, $0x0, v9  }
0x53: {  	vm1 =	vlt.s32 v7, $0xFF;
	v10 =	vadd.f32 v10, v12;
	v12 =	vadd.f32 v13, v5  }
0x54: {  	v13 =	vnsel vm1, $0xFF, v7;
	v5 =	vmax.f32 v15, $0.0e+00;
	v15 =	vld [tilespmem:$0x30];
	v7 =	vmin.u32 v8, $0xFF  }
0x55: {  	v14 =	vmin.f32 v5, $1.000000000e+00;
	vm1 =	vlt.f32 v10, v6;
	v10 =	vadd.s32 $0xFFFFFFFF, v13  }
0x56: {  	v19 =	vmul.f32 $2.550000000e+02, v14;
	v17 =	vsel vm1, $0x1, v0;
	vm1 =	vgt.s32 v10, $0x0  }
0x57: {  	v5 =	vmin.u32 v11, $0xFF;
	v8 =	vnsel vm1, $0x0, v10;
	vm1 =	vlt.f32 v12, v6  }
0x58: {  	v11 =	vadd.f32 $5.000000000e-01, v19;
	v6 =	vmin.u32 v9, $0xFF;
	v12 =	vcvt.s32.f32 v13  }
0x59: {  	v8 =	vcvt.s32.f32 v8;
	v9 =	vsel vm1, $0x1, v0;
	v13 =	vmax.f32 v15, $5.000000000e+01  }
0x5a: {  	v11 =	vtrunc.f32 v11;
	v12 =	vmul.f32 v12, v2;
	v13 =	vmin.f32 v13, $4.000000000e+02  }
0x5b: {  	v9 =	vadd.s32 v9, v18;
	v8 =	vmul.f32 v8, v2;
	v11 =	vcvt.f32.s32 v11  }
0x5c: {  	v18 =	vadd.f32 $-5.000000000e+01, v13;
	v9 =	vadd.s32 v17, v9;
	v17 =	vsub.f32 $1.000000000e+00, v12  }
0x5d: {  	v12 =	vmul.f32 $4.000000000e+02, v12;
	v15 =	vsub.f32 $1.000000000e+00, v8;
	vm1 =	vlt.s32 v11, $0xFF  }
0x5e: {  	v18 =	vmul.f32 $7.285714140e-01, v18;
	v8 =	vmul.f32 $4.000000000e+02, v8;
	v11 =	vnsel vm1, $0xFF, v11  }
0x5f: {  	v17 =	vmul.f32 $5.000000000e+01, v17;
	v15 =	vmul.f32 $5.000000000e+01, v15;
	v19 =	vadd.s32 $0xFFFFFFFF, v11  }
0x60: {  	v18 =	vadd.f32 $5.000000000e-01, v18;
	v11 =	vcvt.s32.f32 v11;
	vm1 =	vgt.s32 v19, $0x0  }
0x61: {  	v12 =	vadd.f32 v17, v12;
	v20 =	vnsel vm1, $0x0, v19;
	v8 =	vadd.f32 v15, v8  }
0x62: {  	vm1 =	vgt.s32 v9, $0x0;
	v17 =	vtrunc.f32 v18;
	v15 =	vcvt.s32.f32 v20  }
0x63: {  	v9 =	vnsel vm1, $0x0, v9;
	vm1 =	vlt.f32 v8, v16;
	v8 =	vcvt.f32.s32 v17;
	v17 =	vld [tilespmem:$0xB0]  }
0x64: {  	v18 =	vsel vm1, $0x1, v0;
	vm1 =	vlt.f32 v12, v16;
	v12 =	vmul.f32 v15, v2  }
0x65: {  	v11 =	vmul.f32 v11, v2;
	v15 =	vsel vm1, $0x1, v0;
	vm1 =	vlt.s32 v8, $0xFF  }
0x66: {  	v10 =	vadd.s32 v15, v10;
	v15 =	vsub.f32 $1.000000000e+00, v12;
	v8 =	vnsel vm1, $0xFF, v8  }
0x67: {  	v10 =	vadd.s32 v18, v10;
	v16 =	vadd.s32 $0xFFFFFFFF, v8;
	v18 =	vsub.f32 $1.000000000e+00, v11  }
0x68: {  	v8 =	vcvt.s32.f32 v8;
	vm1 =	vgt.s32 v16, $0x0;
	v17 =	vmax.f32 v17, $0.0e+00  }
0x69: {  	v15 =	vmul.f32 $0.0e+00, v15;
	v20 =	vnsel vm1, $0x0, v16;
	v17 =	vmin.f32 v17, $1.000000000e+00  }
0x6a: {  	v20 =	vcvt.s32.f32 v20;
	v21 =	vmul.f32 $2.550000000e+02, v17  }
0x6b: {  	vm1 =	vgt.s32 v10, $0x0;
	v12 =	vadd.f32 v15, v12;
	v15 =	vmul.f32 $0.0e+00, v18  }
0x6c: {  	v8 =	vmul.f32 v8, v2;
	v18 =	vmul.f32 v20, v2;
	v20 =	vadd.f32 $5.000000000e-01, v21;
	v21 =	vld [tilespmem:$0x40]  }
0x6d: {  	v10 =	vnsel vm1, $0x0, v10;
	v11 =	vadd.f32 v15, v11;
	vm1 =	vlt.f32 v12, v14  }
0x6e: {  	v12 =	vsel vm1, $0x1, v0;
	v15 =	vsub.f32 $1.000000000e+00, v18;
	v20 =	vtrunc.f32 v20  }
0x6f: {  	vm1 =	vlt.f32 v11, v14;
	v11 =	vsub.f32 $1.000000000e+00, v8;
	v14 =	vcvt.f32.s32 v20  }
0x70: {  	v18 =	vmul.f32 $4.000000000e+02, v18;
	v8 =	vmul.f32 $4.000000000e+02, v8;
	v20 =	vsel vm1, $0x1, v0  }
0x71: {  	v15 =	vmul.f32 $5.000000000e+01, v15;
	vm1 =	vlt.s32 v14, $0xFF;
	v21 =	vmax.f32 v21, $5.000000000e+01  }
0x72: {  	v11 =	vmul.f32 $5.000000000e+01, v11;
	v14 =	vnsel vm1, $0xFF, v14;
	v21 =	vmin.f32 v21, $4.000000000e+02  }
0x73: {  	v15 =	vadd.f32 v15, v18;
	v18 =	vadd.s32 $0xFFFFFFFF, v14;
	v22 =	vadd.f32 $-5.000000000e+01, v21  }
0x74: {  	v19 =	vadd.s32 v20, v19;
	v8 =	vadd.f32 v11, v8;
	vm1 =	vgt.s32 v18, $0x0  }
0x75: {  	v11 =	vnsel vm1, $0x0, v18;
	vm1 =	vlt.f32 v15, v13;
	v15 =	vmul.f32 $7.285714140e-01, v22  }
0x76: {  	v12 =	vadd.s32 v12, v19;
	v19 =	vsel vm1, $0x1, v0;
	v11 =	vcvt.s32.f32 v11  }
0x77: {  	vm1 =	vlt.f32 v8, v13;
	v8 =	vcvt.s32.f32 v14;
	v13 =	vadd.f32 $5.000000000e-01, v15  }
0x78: {  	v14 =	vsel vm1, $0x1, v0;
	vm1 =	vgt.s32 v12, $0x0;
	v11 =	vmul.f32 v11, v2  }
0x79: {  	v14 =	vadd.s32 v14, v16;
	v15 =	vmul.f32 v8, v2;
	v8 =	vtrunc.f32 v13;
	v13 =	vld [tilespmem:$0xC0]  }
0x7a: {  	v14 =	vadd.s32 v19, v14;
	v16 =	vsub.f32 $1.000000000e+00, v11;
	v19 =	vcvt.f32.s32 v8  }
0x7b: {  	v12 =	vnsel vm1, $0x0, v12;
	vm1 =	vgt.s32 v14, $0x0;
	v20 =	vsub.f32 $1.000000000e+00, v15  }
0x7c: {  	v14 =	vnsel vm1, $0x0, v14;
	v16 =	vmul.f32 $0.0e+00, v16;
	vm1 =	vlt.s32 v19, $0xFF  }
0x7d: {  	v8 =	vmin.u32 v9, $0xFF;
	v9 =	vmul.f32 $0.0e+00, v20;
	v19 =	vnsel vm1, $0xFF, v19  }
0x7e: {  	v22 =	vld [tilespmem:$0x50];
	v11 =	vadd.f32 v16, v11;
	v16 =	vadd.s32 $0xFFFFFFFF, v19;
	v13 =	vmax.f32 v13, $0.0e+00  }
0x7f: {  	v15 =	vadd.f32 v9, v15;
	v9 =	vmin.u32 v10, $0xFF;
	vm1 =	vgt.s32 v16, $0x0  }
0x80: {  	v13 =	vmin.f32 v13, $1.000000000e+00;
	v20 =	vnsel vm1, $0x0, v16;
	vm1 =	vlt.f32 v11, v17  }
0x81: {  	v10 =	vmin.u32 v12, $0xFF;
	v11 =	vmul.f32 $2.550000000e+02, v13;
	v23 =	vsel vm1, $0x1, v0  }
0x82: {  	v20 =	vcvt.s32.f32 v20;
	vm1 =	vlt.f32 v15, v17;
	v15 =	vcvt.s32.f32 v19  }
0x83: {  	v19 =	vmax.f32 v22, $5.000000000e+01;
	v11 =	vadd.f32 $5.000000000e-01, v11;
	v12 =	vsel vm1, $0x1, v0  }
0x84: {  	v19 =	vmin.f32 v19, $4.000000000e+02;
	v17 =	vmul.f32 v20, v2;
	v12 =	vadd.s32 v12, v18  }
0x85: {  	v15 =	vmul.f32 v15, v2;
	v22 =	vadd.f32 $-5.000000000e+01, v19;
	v11 =	vtrunc.f32 v11  }
0x86: {  	v12 =	vadd.s32 v23, v12;
	v18 =	vsub.f32 $1.000000000e+00, v17;
	v11 =	vcvt.f32.s32 v11  }
0x87: {  	v20 =	vsub.f32 $1.000000000e+00, v15;
	v17 =	vmul.f32 $4.000000000e+02, v17;
	v15 =	vmul.f32 $4.000000000e+02, v15  }
0x88: {  	v22 =	vmul.f32 $7.285714140e-01, v22;
	v18 =	vmul.f32 $5.000000000e+01, v18;
	vm1 =	vlt.s32 v11, $0xFF  }
0x89: {  	v20 =	vmul.f32 $5.000000000e+01, v20;
	v11 =	vnsel vm1, $0xFF, v11;
	vm1 =	vgt.s32 v12, $0x0  }
0x8a: {  	v12 =	vnsel vm1, $0x0, v12;
	v17 =	vadd.f32 v18, v17;
	v18 =	vadd.s32 $0xFFFFFFFF, v11  }
0x8b: {  	v15 =	vadd.f32 v20, v15;
	v20 =	vadd.f32 $5.000000000e-01, v22;
	vm1 =	vgt.s32 v18, $0x0  }
0x8c: {  	v11 =	vcvt.s32.f32 v11;
	v22 =	vnsel vm1, $0x0, v18;
	vm1 =	vlt.f32 v17, v21;
	v17 =	vld [tilespmem:$0xD0]  }
0x8d: {  	v20 =	vtrunc.f32 v20;
	v23 =	vsel vm1, $0x1, v0;
	v22 =	vcvt.s32.f32 v22  }
0x8e: {  	vm1 =	vlt.f32 v15, v21;
	v15 =	vmul.f32 v11, v2;
	v20 =	vcvt.f32.s32 v20  }
0x8f: {  	v11 =	vmin.u32 v14, $0xFF;
	v14 =	vsel vm1, $0x1, v0;
	v21 =	vmul.f32 v22, v2  }
0x90: {  	v14 =	vadd.s32 v14, v16;
	v16 =	vsub.f32 $1.000000000e+00, v15;
	vm1 =	vlt.s32 v20, $0xFF  }
0x91: {  	v20 =	vnsel vm1, $0xFF, v20;
	v22 =	vsub.f32 $1.000000000e+00, v21;
	v17 =	vmax.f32 v17, $0.0e+00  }
0x92: {  	v16 =	vmul.f32 $0.0e+00, v16;
	v24 =	vadd.s32 $0xFFFFFFFF, v20;
	v17 =	vmin.f32 v17, $1.000000000e+00  }
0x93: {  	v14 =	vadd.s32 v23, v14;
	vm1 =	vgt.s32 v24, $0x0;
	v23 =	vmul.f32 $2.550000000e+02, v17  }
0x94: {  	v22 =	vmul.f32 $0.0e+00, v22;
	v15 =	vadd.f32 v16, v15;
	v16 =	vnsel vm1, $0x0, v24  }
0x95: {  	vm1 =	vgt.s32 v14, $0x0;
	v16 =	vcvt.s32.f32 v16;
	v23 =	vadd.f32 $5.000000000e-01, v23  }
0x96: {  	v25 =	vnsel vm1, $0x0, v14;
	v14 =	vadd.f32 v22, v21;
	vm1 =	vlt.f32 v15, v13;
	v15 =	vld [tilespmem:$0x60]  }
0x97: {  	v21 =	vsel vm1, $0x1, v0;
	v16 =	vmul.f32 v16, v2;
	v22 =	vtrunc.f32 v23  }
0x98: {  	vm1 =	vlt.f32 v14, v13;
	v13 =	vcvt.s32.f32 v20;
	v18 =	vadd.s32 v21, v18  }
0x99: {  	v14 =	vcvt.f32.s32 v22;
	v20 =	vsel vm1, $0x1, v0;
	v21 =	vsub.f32 $1.000000000e+00, v16  }
0x9a: {  	v16 =	vmul.f32 $4.000000000e+02, v16;
	v18 =	vadd.s32 v20, v18;
	v13 =	vmul.f32 v13, v2  }
0x9b: {  	vm1 =	vlt.s32 v14, $0xFF;
	v20 =	vmul.f32 $5.000000000e+01, v21;
	v15 =	vmax.f32 v15, $5.000000000e+01  }
0x9c: {  	v14 =	vnsel vm1, $0xFF, v14;
	v21 =	vsub.f32 $1.000000000e+00, v13;
	v15 =	vmin.f32 v15, $4.000000000e+02  }
0x9d: {  	v13 =	vmul.f32 $4.000000000e+02, v13;
	v22 =	vadd.s32 $0xFFFFFFFF, v14;
	v23 =	vadd.f32 $-5.000000000e+01, v15  }
0x9e: {  	v14 =	vcvt.s32.f32 v14;
	v16 =	vadd.f32 v20, v16;
	vm1 =	vgt.s32 v22, $0x0  }
0x9f: {  	v21 =	vmul.f32 $5.000000000e+01, v21;
	v26 =	vnsel vm1, $0x0, v22;
	v23 =	vmul.f32 $7.285714140e-01, v23  }
0xa0: {  	vm1 =	vgt.s32 v18, $0x0;
	v20 =	vcvt.s32.f32 v26;
	v26 =	vmul.f32 v14, v2  }
0xa1: {  	v18 =	vnsel vm1, $0x0, v18;
	v13 =	vadd.f32 v21, v13;
	v14 =	vadd.f32 $5.000000000e-01, v23  }
0xa2: {  	vm1 =	vlt.f32 v16, v19;
	v16 =	vmul.f32 v20, v2;
	v20 =	vsub.f32 $1.000000000e+00, v26  }
0xa3: {  	v21 =	vsel vm1, $0x1, v0;
	vm1 =	vlt.f32 v13, v19;
	v13 =	vtrunc.f32 v14  }
0xa4: {  	v27 =	vld [tilespmem:$0xE0];
	v19 =	vsub.f32 $1.000000000e+00, v16;
	v20 =	vmul.f32 $0.0e+00, v20;
	v23 =	vcvt.f32.s32 v13  }
0xa5: {  	v14 =	vmin.u32 v12, $0xFF;
	v12 =	vmin.u32 v25, $0xFF;
	v25 =	vsel vm1, $0x1, v0  }
0xa6: {  	v19 =	vmul.f32 $0.0e+00, v19;
	v20 =	vadd.f32 v20, v26;
	vm1 =	vlt.s32 v23, $0xFF  }
0xa7: {  	v13 =	vmin.u32 v18, $0xFF;
	v18 =	vadd.s32 v25, v24;
	v23 =	vnsel vm1, $0xFF, v23  }
0xa8: {  	v16 =	vadd.f32 v19, v16;
	vm1 =	vlt.f32 v20, v17;
	v19 =	vadd.s32 $0xFFFFFFFF, v23  }
0xa9: {  	v24 =	vmax.f32 v27, $0.0e+00;
	v25 =	vld [tilespmem:$0x70];
	v20 =	vsel vm1, $0x1, v0;
	vm1 =	vgt.s32 v19, $0x0  }
0xaa: {  	v18 =	vadd.s32 v21, v18;
	v24 =	vmin.f32 v24, $1.000000000e+00;
	v21 =	vnsel vm1, $0x0, v19  }
0xab: {  	vm1 =	vlt.f32 v16, v17;
	v17 =	vmul.f32 $2.550000000e+02, v24;
	v20 =	vadd.s32 v20, v22  }
0xac: {  	v16 =	vcvt.s32.f32 v21;
	v21 =	vsel vm1, $0x1, v0;
	vm1 =	vgt.s32 v18, $0x0  }
0xad: {  	v20 =	vadd.s32 v21, v20;
	v17 =	vadd.f32 $5.000000000e-01, v17;
	v18 =	vnsel vm1, $0x0, v18  }
0xae: {  	v21 =	vcvt.s32.f32 v23;
	v23 =	vmax.f32 v25, $5.000000000e+01;
	v16 =	vmul.f32 v16, v2  }
0xaf: {  	vm1 =	vgt.s32 v20, $0x0;
	v23 =	vmin.f32 v23, $4.000000000e+02;
	v17 =	vtrunc.f32 v17  }
0xb0: {  	v18 =	vmin.u32 v18, $0xFF;
	v21 =	vmul.f32 v21, v2;
	v17 =	vcvt.f32.s32 v17  }
0xb1: {  	v20 =	vnsel vm1, $0x0, v20;
	v25 =	vadd.f32 $-5.000000000e+01, v23;
	v22 =	vsub.f32 $1.000000000e+00, v16  }
0xb2: {  	v16 =	vmul.f32 $4.000000000e+02, v16;
	v26 =	vsub.f32 $1.000000000e+00, v21;
	vm1 =	vlt.s32 v17, $0xFF  }
0xb3: {  	v25 =	vmul.f32 $7.285714140e-01, v25;
	v22 =	vmul.f32 $5.000000000e+01, v22;
	v17 =	vnsel vm1, $0xFF, v17  }
0xb4: {  	v27 =	vld [tilespmem:$0xF0];
	v21 =	vmul.f32 $4.000000000e+02, v21;
	v26 =	vmul.f32 $5.000000000e+01, v26;
	v28 =	vadd.s32 $0xFFFFFFFF, v17  }
0xb5: {  	v16 =	vadd.f32 v22, v16;
	v22 =	vadd.f32 $5.000000000e-01, v25;
	vm1 =	vgt.s32 v28, $0x0  }
0xb6: {  	v17 =	vcvt.s32.f32 v17;
	v21 =	vadd.f32 v26, v21;
	v25 =	vnsel vm1, $0x0, v28  }
0xb7: {  	vm1 =	vlt.f32 v16, v15;
	v22 =	vtrunc.f32 v22;
	v16 =	vcvt.s32.f32 v25  }
0xb8: {  	v25 =	vsel vm1, $0x1, v0;
	v22 =	vcvt.f32.s32 v22;
	vm1 =	vlt.f32 v21, v15  }
0xb9: {  	v26 =	vmax.f32 v27, $0.0e+00;
	v17 =	vmul.f32 v17, v2;
	v21 =	vsel vm1, $0x1, v0  }
0xba: {  	v15 =	vmul.f32 v16, v2;
	v16 =	vmin.f32 v26, $1.000000000e+00;
	vm1 =	vlt.s32 v22, $0xFF  }
0xbb: {  	v19 =	vadd.s32 v21, v19;
	v26 =	vmul.f32 $2.550000000e+02, v16;
	v22 =	vnsel vm1, $0xFF, v22  }
0xbc: {  	v21 =	vsub.f32 $1.000000000e+00, v15;
	v27 =	vadd.s32 $0xFFFFFFFF, v22;
	v22 =	vcvt.s32.f32 v22  }
0xbd: {  	v19 =	vadd.s32 v25, v19;
	v26 =	vadd.f32 $5.000000000e-01, v26;
	vm1 =	vgt.s32 v27, $0x0  }
0xbe: {  	v21 =	vmul.f32 $0.0e+00, v21;
	v25 =	vnsel vm1, $0x0, v27;
	v22 =	vmul.f32 v22, v2  }
0xbf: {  	vm1 =	vgt.s32 v19, $0x0;
	v26 =	vtrunc.f32 v26;
	v25 =	vcvt.s32.f32 v25  }
0xc0: {  	v26 =	vcvt.f32.s32 v26;
	v15 =	vadd.f32 v21, v15;
	v21 =	vsub.f32 $1.000000000e+00, v17  }
0xc1: {  	v20 =	vmin.u32 v20, $0xFF;
	v19 =	vnsel vm1, $0x0, v19;
	v25 =	vmul.f32 v25, v2  }
0xc2: {  	v30 =	vsub.f32 $1.000000000e+00, v22;
	vm1 =	vlt.s32 v26, $0xFF;
	v21 =	vmul.f32 $0.0e+00, v21  }
0xc3: {  	v26 =	vnsel vm1, $0xFF, v26;
	vm1 =	vlt.f32 v15, v24;
	v15 =	vsub.f32 $1.000000000e+00, v25  }
0xc4: {  	v22 =	vmul.f32 $4.000000000e+02, v22;
	v29 =	vadd.s32 $0xFFFFFFFF, v26;
	v17 =	vadd.f32 v21, v17  }
0xc5: {  	v21 =	vsel vm1, $0x1, v0;
	vm1 =	vgt.s32 v29, $0x0;
	v15 =	vmul.f32 $5.000000000e+01, v15  }
0xc6: {  	v31 =	vnsel vm1, $0x0, v29;
	vm1 =	vlt.f32 v17, v24;
	v24 =	vcvt.s32.f32 v26  }
0xc7: {  	v17 =	vmul.f32 $4.000000000e+02, v25;
	v25 =	vsel vm1, $0x1, v0;
	v57 =	vcvt.s32.f32 v31  }
0xc8: {  	[tilespmem:$0x100] =	vst v7;
	v26 =	vmul.f32 $5.000000000e+01, v30;
	v7 =	vadd.s32 v25, v28;
	v24 =	vmul.f32 v24, v2  }
0xc9: {  	[tilespmem:$0x180] =	vst v5;
	v5 =	vadd.s32 v21, v7;
	v7 =	vadd.f32 v15, v17;
	v15 =	vmul.f32 v57, v2;
	v17 =	vld [tilespmem:$0x100]  }
0xca: {  	[tilespmem:$0x110] =	vst v6;
	v6 =	vadd.f32 v26, v22;
	vm1 =	vgt.s32 v5, $0x0;
	v21 =	vsub.f32 $1.000000000e+00, v24  }
0xcb: {  	[tilespmem:$0x190] =	vst v8;
	v5 =	vnsel vm1, $0x0, v5;
	vm1 =	vlt.f32 v7, v23;
	v7 =	vsub.f32 $1.000000000e+00, v15  }
0xcc: {  	[tilespmem:$0x120] =	vst v9;
	v8 =	vsel vm1, $0x1, v0;
	vm1 =	vlt.f32 v6, v23;
	v6 =	vmul.f32 $0.0e+00, v21  }
0xcd: {  	[tilespmem:$0x1A0] =	vst v10;
	v9 =	vmin.u32 v19, $0xFF;
	v10 =	vsel vm1, $0x1, v0;
	v7 =	vmul.f32 $0.0e+00, v7  }
0xce: {  	[tilespmem:$0x130] =	vst v11;
	v10 =	vadd.s32 v10, v27;
	v6 =	vadd.f32 v6, v24;
	v11 =	vshll.u32 v17, $0x1  }
0xcf: {  	[tilespmem:$0x1B0] =	vst v14;
	v14 =	vand.u32 $0x7, v17;
	v7 =	vadd.f32 v7, v15;
	v11 =	vand.u32 $0xFFFFFFF0, v11  }
0xd0: {  	[tilespmem:$0x140] =	vst v12;
	v8 =	vadd.s32 v8, v10;
	vm1 =	vlt.f32 v6, v16;
	v6 =	vor.u32 v14, v11  }
0xd1: {  	[tilespmem:$0x1C0] =	vst v13;
	v10 =	vsel vm1, $0x1, v0;
	vm1 =	vlt.f32 v7, v16;
	v7 =	vperm.xlane v6, v1  }
0xd2: {  	[tilespmem:$0x150] =	vst v18;
	v6 =	vperm.xlane v6, v4;
	v11 =	vsel vm1, $0x1, v0;
	v10 =	vadd.s32 v10, v29  }
0xd3: {  	[tilespmem:$0x1D0] =	vst v20;
	vm1 =	vgt.s32 v8, $0x0;
	v10 =	vadd.s32 v11, v10;
	v7 =	vadd.s32 v3, v7  }
0xd4: {  	[tilespmem:$0x160] =	vst v9;
	v5 =	vmin.u32 v5, $0xFF;
	v8 =	vnsel vm1, $0x0, v8;
	vm1 =	vgt.s32 v10, $0x0  }
0xd5: {  	[tilespmem:$0x1E0] =	vst v5;
	v6 =	vadd.s32 v3, v6;
	v5 =	vmin.u32 v8, $0xFF;
	v8 =	vnsel vm1, $0x0, v10  }
0xd6: {  	[tilespmem:$0x170] =	vst v5;
	v5 =	vmin.u32 v8, $0xFF  }
0xd7: {  	s28 =	simm.s32 $0x8200;
	[tilespmem:$0x1F0] =	vst v5  }
0xd8: {  	[tilespmem:s28], [sflag:$0x1] =	stream.indirect_vreg.gather [hbm4b:s2+s26], $0x80, v7, vm0, $0xb8;
	[tilespmem:$0x18200] =	vst v63  }
0xd9: {  	s28 =	simm.s32 $0x8A00  }
0xda: {  	[tilespmem:s28], [sflag:$0x1] =	stream.indirect_vreg.gather [hbm4b:s2+s26], $0x80, v6, vm0, $0xb8;
	[tilespmem:$0x18200] =	vst v63  }
0xdb: {  	v5 =	vld [tilespmem:$0x110];
	_ =	sdelay $0x4  }
0xdc: {  	v6 =	vshll.u32 v5, $0x1  }
0xdd: {  	v5 =	vand.u32 $0x7, v5;
	v6 =	vand.u32 $0xFFFFFFF0, v6  }
0xde: {  	v5 =	vor.u32 v5, v6  }
0xdf: {  	v6 =	vperm.xlane v5, v1;
	_ =	sdelay $0x1  }
0xe0: {  	v5 =	vperm.xlane v5, v4;
	v6 =	vadd.s32 v3, v6;
	_ =	sdelay $0x1  }
0xe1: {  	v5 =	vadd.s32 v3, v5;
	_ =	sdelay $0x1  }
0xe2: {  	s28 =	simm.s32 $0x9200  }
0xe3: {  	[tilespmem:s28], [sflag:$0x1] =	stream.indirect_vreg.gather [hbm4b:s2+s26], $0x80, v6, vm0, $0xb8;
	[tilespmem:$0x18200] =	vst v63  }
0xe4: {  	s28 =	simm.s32 $0x9A00  }
0xe5: {  	[tilespmem:s28], [sflag:$0x1] =	stream.indirect_vreg.gather [hbm4b:s2+s26], $0x80, v5, vm0, $0xb8;
	[tilespmem:$0x18200] =	vst v63  }
0xe6: {  	v5 =	vld [tilespmem:$0x120];
	_ =	sdelay $0x4  }
0xe7: {  	v6 =	vshll.u32 v5, $0x1  }
0xe8: {  	v5 =	vand.u32 $0x7, v5;
	v6 =	vand.u32 $0xFFFFFFF0, v6  }
0xe9: {  	v5 =	vor.u32 v5, v6  }
0xea: {  	v6 =	vperm.xlane v5, v1;
	_ =	sdelay $0x1  }
0xeb: {  	v5 =	vperm.xlane v5, v4;
	v6 =	vadd.s32 v3, v6;
	_ =	sdelay $0x1  }
0xec: {  	v5 =	vadd.s32 v3, v5;
	_ =	sdelay $0x1  }
0xed: {  	s28 =	simm.s32 $0xA200  }
0xee: {  	[tilespmem:s28], [sflag:$0x1] =	stream.indirect_vreg.gather [hbm4b:s2+s26], $0x80, v6, vm0, $0xb8;
	[tilespmem:$0x18200] =	vst v63  }
0xef: {  	s28 =	simm.s32 $0xAA00  }
0xf0: {  	[tilespmem:s28], [sflag:$0x1] =	stream.indirect_vreg.gather [hbm4b:s2+s26], $0x80, v5, vm0, $0xb8;
	[tilespmem:$0x18200] =	vst v63  }
0xf1: {  	v5 =	vld [tilespmem:$0x130];
	_ =	sdelay $0x4  }
0xf2: {  	v6 =	vshll.u32 v5, $0x1  }
0xf3: {  	v5 =	vand.u32 $0x7, v5;
	v6 =	vand.u32 $0xFFFFFFF0, v6  }
0xf4: {  	v5 =	vor.u32 v5, v6  }
0xf5: {  	v6 =	vperm.xlane v5, v1;
	_ =	sdelay $0x1  }
0xf6: {  	v5 =	vperm.xlane v5, v4;
	v6 =	vadd.s32 v3, v6;
	_ =	sdelay $0x1  }
0xf7: {  	v5 =	vadd.s32 v3, v5;
	_ =	sdelay $0x1  }
0xf8: {  	s28 =	simm.s32 $0xB200  }
0xf9: {  	[tilespmem:s28], [sflag:$0x1] =	stream.indirect_vreg.gather [hbm4b:s2+s26], $0x80, v6, vm0, $0xb8;
	[tilespmem:$0x18200] =	vst v63  }
0xfa: {  	s28 =	simm.s32 $0xBA00  }
0xfb: {  	[tilespmem:s28], [sflag:$0x1] =	stream.indirect_vreg.gather [hbm4b:s2+s26], $0x80, v5, vm0, $0xb8;
	[tilespmem:$0x18200] =	vst v63  }
0xfc: {  	v5 =	vld [tilespmem:$0x140];
	_ =	sdelay $0x4  }
0xfd: {  	v6 =	vshll.u32 v5, $0x1  }
0xfe: {  	v5 =	vand.u32 $0x7, v5;
	v6 =	vand.u32 $0xFFFFFFF0, v6  }
0xff: {  	v5 =	vor.u32 v5, v6  }
0x100: {  	v6 =	vperm.xlane v5, v1;
	_ =	sdelay $0x1  }
0x101: {  	v5 =	vperm.xlane v5, v4;
	v6 =	vadd.s32 v3, v6;
	_ =	sdelay $0x1  }
0x102: {  	v5 =	vadd.s32 v3, v5;
	_ =	sdelay $0x1  }
0x103: {  	s28 =	simm.s32 $0xC200  }
0x104: {  	[tilespmem:s28], [sflag:$0x1] =	stream.indirect_vreg.gather [hbm4b:s2+s26], $0x80, v6, vm0, $0xb8;
	[tilespmem:$0x18200] =	vst v63  }
0x105: {  	s28 =	simm.s32 $0xCA00  }
0x106: {  	[tilespmem:s28], [sflag:$0x1] =	stream.indirect_vreg.gather [hbm4b:s2+s26], $0x80, v5, vm0, $0xb8;
	[tilespmem:$0x18200] =	vst v63  }
0x107: {  	v5 =	vld [tilespmem:$0x150];
	_ =	sdelay $0x4  }
0x108: {  	v6 =	vshll.u32 v5, $0x1  }
0x109: {  	v5 =	vand.u32 $0x7, v5;
	v6 =	vand.u32 $0xFFFFFFF0, v6  }
0x10a: {  	v5 =	vor.u32 v5, v6  }
0x10b: {  	v6 =	vperm.xlane v5, v1;
	_ =	sdelay $0x1  }
0x10c: {  	v5 =	vperm.xlane v5, v4;
	v6 =	vadd.s32 v3, v6;
	_ =	sdelay $0x1  }
0x10d: {  	v5 =	vadd.s32 v3, v5;
	_ =	sdelay $0x1  }
0x10e: {  	s28 =	simm.s32 $0xD200  }
0x10f: {  	[tilespmem:s28], [sflag:$0x1] =	stream.indirect_vreg.gather [hbm4b:s2+s26], $0x80, v6, vm0, $0xb8;
	[tilespmem:$0x18200] =	vst v63  }
0x110: {  	s28 =	simm.s32 $0xDA00  }
0x111: {  	[tilespmem:s28], [sflag:$0x1] =	stream.indirect_vreg.gather [hbm4b:s2+s26], $0x80, v5, vm0, $0xb8;
	[tilespmem:$0x18200] =	vst v63  }
0x112: {  	v5 =	vld [tilespmem:$0x160];
	_ =	sdelay $0x4  }
0x113: {  	v6 =	vshll.u32 v5, $0x1  }
0x114: {  	v5 =	vand.u32 $0x7, v5;
	v6 =	vand.u32 $0xFFFFFFF0, v6  }
0x115: {  	v5 =	vor.u32 v5, v6  }
0x116: {  	v6 =	vperm.xlane v5, v1;
	_ =	sdelay $0x1  }
0x117: {  	v5 =	vperm.xlane v5, v4;
	v6 =	vadd.s32 v3, v6;
	_ =	sdelay $0x1  }
0x118: {  	v5 =	vadd.s32 v3, v5;
	_ =	sdelay $0x1  }
0x119: {  	s28 =	simm.s32 $0xE200  }
0x11a: {  	[tilespmem:s28], [sflag:$0x1] =	stream.indirect_vreg.gather [hbm4b:s2+s26], $0x80, v6, vm0, $0xb8;
	[tilespmem:$0x18200] =	vst v63  }
0x11b: {  	s28 =	simm.s32 $0xEA00  }
0x11c: {  	[tilespmem:s28], [sflag:$0x1] =	stream.indirect_vreg.gather [hbm4b:s2+s26], $0x80, v5, vm0, $0xb8;
	[tilespmem:$0x18200] =	vst v63  }
0x11d: {  	v5 =	vld [tilespmem:$0x170];
	_ =	sdelay $0x4  }
0x11e: {  	v6 =	vshll.u32 v5, $0x1  }
0x11f: {  	v5 =	vand.u32 $0x7, v5;
	v6 =	vand.u32 $0xFFFFFFF0, v6  }
0x120: {  	v5 =	vor.u32 v5, v6  }
0x121: {  	v6 =	vperm.xlane v5, v1;
	_ =	sdelay $0x1  }
0x122: {  	v5 =	vperm.xlane v5, v4;
	v6 =	vadd.s32 v3, v6;
	_ =	sdelay $0x1  }
0x123: {  	v5 =	vadd.s32 v3, v5;
	_ =	sdelay $0x1  }
0x124: {  	s28 =	simm.s32 $0xF200  }
0x125: {  	[tilespmem:s28], [sflag:$0x1] =	stream.indirect_vreg.gather [hbm4b:s2+s26], $0x80, v6, vm0, $0xb8;
	[tilespmem:$0x18200] =	vst v63  }
0x126: {  	s28 =	simm.s32 $0xFA00  }
0x127: {  	[tilespmem:s28], [sflag:$0x1] =	stream.indirect_vreg.gather [hbm4b:s2+s26], $0x80, v5, vm0, $0xb8;
	[tilespmem:$0x18200] =	vst v63  }
0x128: {  	v5 =	vld [tilespmem:$0x180];
	_ =	sdelay $0x4  }
0x129: {  	v6 =	vshll.u32 v5, $0x1  }
0x12a: {  	v5 =	vand.u32 $0x7, v5;
	v6 =	vand.u32 $0xFFFFFFF0, v6  }
0x12b: {  	v5 =	vor.u32 v5, v6  }
0x12c: {  	v6 =	vperm.xlane v5, v1;
	_ =	sdelay $0x1  }
0x12d: {  	v5 =	vperm.xlane v5, v4;
	v6 =	vadd.s32 v3, v6;
	_ =	sdelay $0x1  }
0x12e: {  	v5 =	vadd.s32 v3, v5;
	_ =	sdelay $0x1  }
0x12f: {  	s28 =	simm.s32 $0x10200  }
0x130: {  	[tilespmem:s28], [sflag:$0x1] =	stream.indirect_vreg.gather [hbm4b:s3+s26], $0x80, v6, vm0, $0xb8;
	[tilespmem:$0x18200] =	vst v63  }
0x131: {  	_ = 	snop  }
0x132: {  	[tilespmem:s0], [sflag:$0x1] =	stream.indirect_vreg.gather [hbm4b:s3+s26], $0x80, v5, vm0, $0xb8;
	[tilespmem:$0x18200] =	vst v63  }
0x133: {  	v5 =	vld [tilespmem:$0x190];
	_ =	sdelay $0x4  }
0x134: {  	v6 =	vshll.u32 v5, $0x1  }
0x135: {  	v5 =	vand.u32 $0x7, v5;
	v6 =	vand.u32 $0xFFFFFFF0, v6  }
0x136: {  	v5 =	vor.u32 v5, v6  }
0x137: {  	v6 =	vperm.xlane v5, v1;
	_ =	sdelay $0x1  }
0x138: {  	v5 =	vperm.xlane v5, v4;
	v6 =	vadd.s32 v3, v6;
	_ =	sdelay $0x1  }
0x139: {  	v5 =	vadd.s32 v3, v5;
	_ =	sdelay $0x2  }
0x13a: {  	[tilespmem:s6], [sflag:$0x1] =	stream.indirect_vreg.gather [hbm4b:s3+s26], $0x80, v6, vm0, $0xb8;
	[tilespmem:$0x18200] =	vst v63  }
0x13b: {  	_ = 	snop  }
0x13c: {  	[tilespmem:s10], [sflag:$0x1] =	stream.indirect_vreg.gather [hbm4b:s3+s26], $0x80, v5, vm0, $0xb8;
	[tilespmem:$0x18200] =	vst v63  }
0x13d: {  	v5 =	vld [tilespmem:$0x1A0];
	_ =	sdelay $0x4  }
0x13e: {  	v6 =	vshll.u32 v5, $0x1  }
0x13f: {  	v5 =	vand.u32 $0x7, v5;
	v6 =	vand.u32 $0xFFFFFFF0, v6  }
0x140: {  	v5 =	vor.u32 v5, v6  }
0x141: {  	v6 =	vperm.xlane v5, v1;
	_ =	sdelay $0x1  }
0x142: {  	v5 =	vperm.xlane v5, v4;
	v6 =	vadd.s32 v3, v6;
	_ =	sdelay $0x1  }
0x143: {  	v5 =	vadd.s32 v3, v5;
	_ =	sdelay $0x2  }
0x144: {  	[tilespmem:s1], [sflag:$0x1] =	stream.indirect_vreg.gather [hbm4b:s3+s26], $0x80, v6, vm0, $0xb8;
	[tilespmem:$0x18200] =	vst v63  }
0x145: {  	_ = 	snop  }
0x146: {  	[tilespmem:s4], [sflag:$0x1] =	stream.indirect_vreg.gather [hbm4b:s3+s26], $0x80, v5, vm0, $0xb8;
	[tilespmem:$0x18200] =	vst v63  }
0x147: {  	v5 =	vld [tilespmem:$0x1B0];
	_ =	sdelay $0x4  }
0x148: {  	v6 =	vshll.u32 v5, $0x1  }
0x149: {  	v5 =	vand.u32 $0x7, v5;
	v6 =	vand.u32 $0xFFFFFFF0, v6  }
0x14a: {  	v5 =	vor.u32 v5, v6  }
0x14b: {  	v6 =	vperm.xlane v5, v1;
	_ =	sdelay $0x1  }
0x14c: {  	v5 =	vperm.xlane v5, v4;
	v6 =	vadd.s32 v3, v6;
	_ =	sdelay $0x1  }
0x14d: {  	v5 =	vadd.s32 v3, v5;
	_ =	sdelay $0x2  }
0x14e: {  	[tilespmem:s5], [sflag:$0x1] =	stream.indirect_vreg.gather [hbm4b:s3+s26], $0x80, v6, vm0, $0xb8;
	[tilespmem:$0x18200] =	vst v63  }
0x14f: {  	_ = 	snop  }
0x150: {  	[tilespmem:s12], [sflag:$0x1] =	stream.indirect_vreg.gather [hbm4b:s3+s26], $0x80, v5, vm0, $0xb8;
	[tilespmem:$0x18200] =	vst v63  }
0x151: {  	v5 =	vld [tilespmem:$0x1C0];
	_ =	sdelay $0x4  }
0x152: {  	v6 =	vshll.u32 v5, $0x1  }
0x153: {  	v5 =	vand.u32 $0x7, v5;
	v6 =	vand.u32 $0xFFFFFFF0, v6  }
0x154: {  	v5 =	vor.u32 v5, v6  }
0x155: {  	v6 =	vperm.xlane v5, v1;
	_ =	sdelay $0x1  }
0x156: {  	v5 =	vperm.xlane v5, v4;
	v6 =	vadd.s32 v3, v6;
	_ =	sdelay $0x1  }
0x157: {  	v5 =	vadd.s32 v3, v5;
	_ =	sdelay $0x2  }
0x158: {  	[tilespmem:s14], [sflag:$0x1] =	stream.indirect_vreg.gather [hbm4b:s3+s26], $0x80, v6, vm0, $0xb8;
	[tilespmem:$0x18200] =	vst v63  }
0x159: {  	_ = 	snop  }
0x15a: {  	[tilespmem:s15], [sflag:$0x1] =	stream.indirect_vreg.gather [hbm4b:s3+s26], $0x80, v5, vm0, $0xb8;
	[tilespmem:$0x18200] =	vst v63  }
0x15b: {  	v5 =	vld [tilespmem:$0x1D0];
	_ =	sdelay $0x4  }
0x15c: {  	v6 =	vshll.u32 v5, $0x1  }
0x15d: {  	v5 =	vand.u32 $0x7, v5;
	v6 =	vand.u32 $0xFFFFFFF0, v6  }
0x15e: {  	v5 =	vor.u32 v5, v6  }
0x15f: {  	v6 =	vperm.xlane v5, v1;
	_ =	sdelay $0x1  }
0x160: {  	v5 =	vperm.xlane v5, v4;
	v6 =	vadd.s32 v3, v6;
	_ =	sdelay $0x1  }
0x161: {  	v5 =	vadd.s32 v3, v5;
	_ =	sdelay $0x2  }
0x162: {  	[tilespmem:s16], [sflag:$0x1] =	stream.indirect_vreg.gather [hbm4b:s3+s26], $0x80, v6, vm0, $0xb8;
	[tilespmem:$0x18200] =	vst v63  }
0x163: {  	_ = 	snop  }
0x164: {  	[tilespmem:s17], [sflag:$0x1] =	stream.indirect_vreg.gather [hbm4b:s3+s26], $0x80, v5, vm0, $0xb8;
	[tilespmem:$0x18200] =	vst v63  }
0x165: {  	v5 =	vld [tilespmem:$0x1E0];
	_ =	sdelay $0x4  }
0x166: {  	v6 =	vshll.u32 v5, $0x1  }
0x167: {  	v5 =	vand.u32 $0x7, v5;
	v6 =	vand.u32 $0xFFFFFFF0, v6  }
0x168: {  	v5 =	vor.u32 v5, v6  }
0x169: {  	v6 =	vperm.xlane v5, v1;
	_ =	sdelay $0x1  }
0x16a: {  	v5 =	vperm.xlane v5, v4;
	v6 =	vadd.s32 v3, v6;
	_ =	sdelay $0x1  }
0x16b: {  	v5 =	vadd.s32 v3, v5;
	_ =	sdelay $0x2  }
0x16c: {  	[tilespmem:s18], [sflag:$0x1] =	stream.indirect_vreg.gather [hbm4b:s3+s26], $0x80, v6, vm0, $0xb8;
	[tilespmem:$0x18200] =	vst v63  }
0x16d: {  	_ = 	snop  }
0x16e: {  	[tilespmem:s19], [sflag:$0x1] =	stream.indirect_vreg.gather [hbm4b:s3+s26], $0x80, v5, vm0, $0xb8;
	[tilespmem:$0x18200] =	vst v63  }
0x16f: {  	v5 =	vld [tilespmem:$0x1F0];
	_ =	sdelay $0x4  }
0x170: {  	v6 =	vshll.u32 v5, $0x1  }
0x171: {  	v5 =	vand.u32 $0x7, v5;
	v6 =	vand.u32 $0xFFFFFFF0, v6  }
0x172: {  	v5 =	vor.u32 v5, v6  }
0x173: {  	v6 =	vperm.xlane v5, v1;
	_ =	sdelay $0x1  }
0x174: {  	v5 =	vperm.xlane v5, v4;
	v6 =	vadd.s32 v3, v6;
	_ =	sdelay $0x1  }
0x175: {  	v5 =	vadd.s32 v3, v5;
	_ =	sdelay $0x2  }
0x176: {  	[tilespmem:s20], [sflag:$0x1] =	stream.indirect_vreg.gather [hbm4b:s3+s26], $0x80, v6, vm0, $0xb8;
	[tilespmem:$0x18200] =	vst v63  }
0x177: {  	_ = 	snop  }
0x178: {  	[tilespmem:s21], [sflag:$0x1] =	stream.indirect_vreg.gather [hbm4b:s3+s26], $0x80, v5, vm0, $0xb8;
	[tilespmem:$0x18200] =	vst v63  }
0x179: {  	_ =	swait.ge [sflag:s22], $0x8000  }
0x17a: {  	[sflag:s22] =	ssyncset.done $0x0  }
0x17b: {  	[sflag:s22] =	ssyncadd.s32 $0xFFFF8000  }
0x17c: {  	_ =	swait.ge [sflag:s22], $0x8000  }
0x17d: {  	[sflag:s22] =	ssyncset.done $0x0  }
0x17e: {  	[sflag:s22] =	ssyncadd.s32 $0xFFFF8000  }
0x17f: {  	_ =	swait.ge [sflag:s23], $0x8000  }
0x180: {  	s29 =	sand.u32 $0x380, s26;
	s28 =	sand.u32 $0x7800, s26;
	[sflag:s23] =	ssyncset.done $0x0  }
0x181: {  	s28 =	sor.u32 s29, s28;
	[sflag:s23] =	ssyncadd.s32 $0xFFFF8000  }
0x182: {  	v19 =	vld [tilespmem:s28+$0x10200]  }
0x183: {  	v20 =	vld [tilespmem:s28+$0x10210]  }
0x184: {  	v21 =	vld [tilespmem:s28+$0x10220]  }
0x185: {  	v23 =	vld [tilespmem:s28+$0x10230]  }
0x186: {  	v24 =	vld [tilespmem:s28+$0x10240]  }
0x187: {  	v25 =	vld [tilespmem:s28+$0x10250]  }
0x188: {  	v26 =	vld [tilespmem:s28+$0x10260]  }
0x189: {  	v11 =	vld [tilespmem:s28+$0x10270]  }
0x18a: {  	v10 =	vld [tilespmem:s28+$0x10600]  }
0x18b: {  	v9 =	vld [tilespmem:s28+$0x10610]  }
0x18c: {  	v8 =	vld [tilespmem:s28+$0x10620]  }
0x18d: {  	v7 =	vld [tilespmem:s28+$0x10630]  }
0x18e: {  	v6 =	vld [tilespmem:s28+$0x10640]  }
0x18f: {  	v5 =	vld [tilespmem:s28+$0x10650]  }
0x190: {  	v22 =	vld [tilespmem:s28+$0x8200]  }
0x191: {  	v27 =	vld [tilespmem:s28+$0x8210]  }
0x192: {  	v28 =	vld [tilespmem:s28+$0x8220]  }
0x193: {  	v29 =	vld [tilespmem:s28+$0x8230]  }
0x194: {  	v58 =	vld [tilespmem:s28+$0x8240]  }
0x195: {  	v59 =	vld [tilespmem:s28+$0x8250]  }
0x196: {  	v32 =	vld [tilespmem:s28+$0x8260]  }
0x197: {  	v33 =	vld [tilespmem:s28+$0x8270]  }
0x198: {  	v34 =	vld [tilespmem:s28+$0x8600]  }
0x199: {  	v18 =	vld [tilespmem:s28+$0x8610]  }
0x19a: {  	v17 =	vld [tilespmem:s28+$0x8620]  }
0x19b: {  	v16 =	vld [tilespmem:s28+$0x8630]  }
0x19c: {  	v15 =	vld [tilespmem:s28+$0x8640]  }
0x19d: {  	v14 =	vld [tilespmem:s28+$0x8650]  }
0x19e: {  	v13 =	vld [tilespmem:s28+$0x8660]  }
0x19f: {  	v12 =	vld [tilespmem:s28+$0x8670]  }
0x1a0: {  	v35 =	vld [tilespmem:s28+$0x200]  }
0x1a1: {  	v36 =	vld [tilespmem:s28+$0x210]  }
0x1a2: {  	v37 =	vld [tilespmem:s28+$0x220]  }
0x1a3: {  	v38 =	vld [tilespmem:s28+$0x230]  }
0x1a4: {  	v39 =	vld [tilespmem:s28+$0x240]  }
0x1a5: {  	v60 =	vld [tilespmem:s28+$0x250];
	v22 =	vadd.f32 v22, v35  }
0x1a6: {  	v61 =	vld [tilespmem:s28+$0x260];
	v27 =	vadd.f32 v27, v36  }
0x1a7: {  	v19 =	vadd.f32 v19, v22;
	v22 =	vadd.f32 v28, v37;
	v28 =	vld [tilespmem:s28+$0x270]  }
0x1a8: {  	v20 =	vadd.f32 v20, v27;
	v27 =	vadd.f32 v29, v38;
	v29 =	vld [tilespmem:s28+$0x600]  }
0x1a9: {  	[tilespmem:s28+$0x200] =	vst v19;
	v19 =	vadd.f32 v21, v22;
	v21 =	vadd.f32 v58, v39;
	v22 =	vld [tilespmem:s28+$0x610]  }
0x1aa: {  	v62 =	vadd.f32 v59, v60;
	[tilespmem:s28+$0x210] =	vst v20;
	v27 =	vadd.f32 v23, v27;
	v23 =	vld [tilespmem:s28+$0x620]  }
0x1ab: {  	v63 =	vadd.f32 v32, v61;
	v20 =	vld [tilespmem:s28+$0x630];
	[tilespmem:s28+$0x220] =	vst v19;
	v19 =	vadd.f32 v24, v21  }
0x1ac: {  	[tilespmem:s28+$0x230] =	vst v27;
	v24 =	vadd.f32 v25, v62;
	v21 =	vld [tilespmem:s28+$0x640];
	v25 =	vadd.f32 v33, v28  }
0x1ad: {  	s29 =	simm.s32 $0x100;
	v27 =	vadd.f32 v26, v63;
	v26 =	vadd.f32 v34, v29;
	[tilespmem:s28+$0x240] =	vst v19;
	v19 =	vld [tilespmem:s28+$0x650]  }
.LBB2_3:
0x1ae: {  	p0 =	sne.s32 s29, $0x7F00;
	[tilespmem:s28+$0x250] =	vst v24;
	v11 =	vadd.f32 v11, v25;
	v18 =	vadd.f32 v18, v22;
	v22 =	vld [tilespmem:s28+$0x660]  }
0x1af: {  	s26 =	sadd.s32 $0x80, s26;
	[tilespmem:s28+$0x260] =	vst v27;
	v10 =	vadd.f32 v10, v26;
	v17 =	vadd.f32 v17, v23;
	v23 =	vld [tilespmem:s28+$0x670]  }
0x1b0: {  	s30 =	sand.u32 $0x7800, s29;
	s31 =	sand.u32 $0x380, s26;
	[tilespmem:s28+$0x270] =	vst v11;
	v9 =	vadd.f32 v9, v18;
	v11 =	vadd.f32 v16, v20;
	v16 =	vld [tilespmem:s28+$0x10660]  }
0x1b1: {  	s30 =	sor.u32 s31, s30;
	[tilespmem:s28+$0x600] =	vst v10;
	v8 =	vadd.f32 v8, v17;
	v10 =	vadd.f32 v15, v21;
	v15 =	vld [tilespmem:s28+$0x10670]  }
0x1b2: {  	v20 =	vld [tilespmem:s30+$0x10200];
	[tilespmem:s28+$0x610] =	vst v9;
	v7 =	vadd.f32 v7, v11;
	v9 =	vadd.f32 v14, v19  }
0x1b3: {  	v19 =	vld [tilespmem:s30+$0x10210];
	[tilespmem:s28+$0x620] =	vst v8;
	v6 =	vadd.f32 v6, v10;
	v8 =	vadd.f32 v13, v22  }
0x1b4: {  	v21 =	vld [tilespmem:s30+$0x10220];
	[tilespmem:s28+$0x630] =	vst v7;
	v5 =	vadd.f32 v5, v9;
	v7 =	vadd.f32 v12, v23  }
0x1b5: {  	v23 =	vld [tilespmem:s30+$0x10230];
	[tilespmem:s28+$0x640] =	vst v6;
	v6 =	vadd.f32 v16, v8  }
0x1b6: {  	v24 =	vld [tilespmem:s30+$0x10240];
	[tilespmem:s28+$0x650] =	vst v5;
	v5 =	vadd.f32 v15, v7  }
0x1b7: {  	v25 =	vld [tilespmem:s30+$0x10250];
	[tilespmem:s28+$0x660] =	vst v6  }
0x1b8: {  	v26 =	vld [tilespmem:s30+$0x10260];
	[tilespmem:s28+$0x670] =	vst v5;
	s28 =	smov.u32 s30  }
0x1b9: {  	v11 =	vld [tilespmem:s28+$0x10270]  }
0x1ba: {  	v10 =	vld [tilespmem:s28+$0x10600]  }
0x1bb: {  	v9 =	vld [tilespmem:s28+$0x10610]  }
0x1bc: {  	v8 =	vld [tilespmem:s28+$0x10620]  }
0x1bd: {  	v7 =	vld [tilespmem:s28+$0x10630]  }
0x1be: {  	v6 =	vld [tilespmem:s28+$0x10640]  }
0x1bf: {  	v5 =	vld [tilespmem:s28+$0x10650]  }
0x1c0: {  	v22 =	vld [tilespmem:s28+$0x8200]  }
0x1c1: {  	v27 =	vld [tilespmem:s28+$0x8210]  }
0x1c2: {  	v28 =	vld [tilespmem:s28+$0x8220]  }
0x1c3: {  	v29 =	vld [tilespmem:s28+$0x8230]  }
0x1c4: {  	v30 =	vld [tilespmem:s28+$0x8240]  }
0x1c5: {  	v31 =	vld [tilespmem:s28+$0x8250]  }
0x1c6: {  	v32 =	vld [tilespmem:s28+$0x8260]  }
0x1c7: {  	v33 =	vld [tilespmem:s28+$0x8270]  }
0x1c8: {  	v34 =	vld [tilespmem:s28+$0x8600]  }
0x1c9: {  	v18 =	vld [tilespmem:s28+$0x8610]  }
0x1ca: {  	v17 =	vld [tilespmem:s28+$0x8620]  }
0x1cb: {  	v16 =	vld [tilespmem:s28+$0x8630]  }
0x1cc: {  	v15 =	vld [tilespmem:s28+$0x8640]  }
0x1cd: {  	v14 =	vld [tilespmem:s28+$0x8650]  }
0x1ce: {  	v13 =	vld [tilespmem:s28+$0x8660]  }
0x1cf: {  	v12 =	vld [tilespmem:s28+$0x8670]  }
0x1d0: {  	v35 =	vld [tilespmem:s28+$0x200]  }
0x1d1: {  	v36 =	vld [tilespmem:s28+$0x210]  }
0x1d2: {  	v37 =	vld [tilespmem:s28+$0x220]  }
0x1d3: {  	v38 =	vld [tilespmem:s28+$0x230]  }
0x1d4: {  	v39 =	vld [tilespmem:s28+$0x240]  }
0x1d5: {  	v22 =	vadd.f32 v22, v35;
	v35 =	vld [tilespmem:s28+$0x250]  }
0x1d6: {  	v27 =	vadd.f32 v27, v36;
	v36 =	vld [tilespmem:s28+$0x260]  }
0x1d7: {  	v20 =	vadd.f32 v20, v22;
	v22 =	vadd.f32 v28, v37;
	v28 =	vld [tilespmem:s28+$0x270]  }
0x1d8: {  	v19 =	vadd.f32 v19, v27;
	v27 =	vadd.f32 v29, v38;
	v29 =	vld [tilespmem:s28+$0x600]  }
.Ltmp0:
0x1d9: {  	[tilespmem:s28+$0x200] =	vst v20;
	v20 =	vadd.f32 v21, v22;
	v21 =	vadd.f32 v30, v39;
	v22 =	vld [tilespmem:s28+$0x610];
	(pc) =	sbr.rel @p0 .LBB2_3-.Ltmp0, $4  }
0x1da: {  	[tilespmem:s28+$0x210] =	vst v19;
	v19 =	vadd.f32 v23, v27;
	v27 =	vadd.f32 v31, v35;
	v23 =	vld [tilespmem:s28+$0x620]  }
0x1db: {  	[tilespmem:s28+$0x220] =	vst v20;
	v30 =	vadd.f32 v24, v21;
	v31 =	vadd.f32 v32, v36;
	v20 =	vld [tilespmem:s28+$0x630]  }
0x1dc: {  	[tilespmem:s28+$0x230] =	vst v19;
	v24 =	vadd.f32 v25, v27;
	v25 =	vadd.f32 v33, v28;
	v21 =	vld [tilespmem:s28+$0x640]  }
0x1dd: {  	s29 =	sadd.s32 $0x100, s29;
	[tilespmem:s28+$0x240] =	vst v30;
	v27 =	vadd.f32 v26, v31;
	v26 =	vadd.f32 v34, v29;
	v19 =	vld [tilespmem:s28+$0x650]  }
0x1de: {  	[tilespmem:s28+$0x250] =	vst v24;
	v11 =	vadd.f32 v11, v25;
	v56 =	vld [tilespmem:s28+$0x660];
	v18 =	vadd.f32 v18, v22  }
0x1df: {  	v57 =	vld [tilespmem:s28+$0x670];
	[tilespmem:s28+$0x260] =	vst v27;
	v10 =	vadd.f32 v10, v26;
	v58 =	vadd.f32 v17, v23  }
0x1e0: {  	v59 =	vld [tilespmem:s28+$0x10660];
	[tilespmem:s28+$0x270] =	vst v11;
	v9 =	vadd.f32 v9, v18;
	v16 =	vadd.f32 v16, v20  }
0x1e1: {  	v61 =	vld [tilespmem:s28+$0x10670];
	[tilespmem:s28+$0x600] =	vst v10;
	v8 =	vadd.f32 v8, v58;
	v60 =	vadd.f32 v15, v21  }
0x1e2: {  	[tilespmem:s28+$0x610] =	vst v9;
	v7 =	vadd.f32 v7, v16;
	v62 =	vadd.f32 v14, v19  }
0x1e3: {  	[tilespmem:s28+$0x620] =	vst v8;
	v6 =	vadd.f32 v6, v60;
	v63 =	vadd.f32 v13, v56  }
0x1e4: {  	[tilespmem:s28+$0x630] =	vst v7;
	v5 =	vadd.f32 v5, v62;
	v7 =	vadd.f32 v12, v57  }
0x1e5: {  	[tilespmem:s28+$0x640] =	vst v6;
	v6 =	vadd.f32 v59, v63  }
0x1e6: {  	s24 =	sadd.s32 $0x1, s24;
	[tilespmem:s28+$0x650] =	vst v5;
	v5 =	vadd.f32 v61, v7  }
0x1e7: {  	s26 =	rddreg [dreg:$0x4];
	p0 =	sne.s32 s24, $0x10;
	[tilespmem:s28+$0x660] =	vst v6  }
.Ltmp1:
0x1e8: {  	s31 =	simm.s32 $0x0;
	s25 =	sadd.s32 s26, s25;
	[tilespmem:s28+$0x670] =	vst v5;
	(pc) =	sbr.rel @p0 .LBB2_2-.Ltmp1, $4  }
0x1e9: {  	[hbm4b:s25+s31] =	stream.linear.scatter [tilespmem:s13], [sflag:$0x3], $0x8000, $0x38;
	[tilespmem:$0x18200] =	vst v63  }
0x1ea: {  	_ =	swait.ge [sflag:s11], $0x8000  }
0x1eb: {  	[sflag:s11] =	ssyncset.done $0x0  }
0x1ec: {  	[sflag:s11] =	ssyncadd.s32 $0xFFFF8000  }
0x1ed: {  	s25 =	rddreg [dreg:$0x7]  }
0x1ee: {  	s24 =	rddreg [dreg:$0x6];
	s25 =	sadd.s32 $0x1, s25  }
0x1ef: {  	p0 =	sne.s32 s25, s24  }
.Ltmp2:
0x1f0: {  	_ = 	snop;
	(pc) =	sbr.rel @p0 .LBB2_1-.Ltmp2, $1  }
0x1f1: {  	_ =	sdelay $0x3  }
0x1f2: {  	_ =	sfence.sel $0x180000  }
0x1f3: {  	[bflag:$0x0] =	sbarrier.arrive $0xFFFF  }
0x1f4: {  	_ =	strace $0x90000047  }
0x1f5: {  	s0 =	stileid.u32;
	[bflag:$0x2] =	sbarrier.arrive $0xFFFF  }
0x1f6: {  	p0 =	sne.s32 s0, $0x0;
	s0 =	rddreg [dreg:$0x5]  }
0x1f7: {  	s0 =	sadd.s32 @!p0 $0x100000, s0  }
0x1f8: {  	[sflag:s0] =	ssyncadd.tile.s32 @!p0 $0x1;
	_ =	shalt  }
.Lfunc_end2:
_tile_overlayer_lowered:
.L_overlay_start_2:
0x1f9: {  	(tag) =	ssettag $0x2  }
0x1fa: {  	s0 =	rddreg [dreg:$0x0];
	s2 =	stileid.u32  }
0x1fb: {  	s1 =	rddreg [dreg:$0x1];
	p0 =	sne.s32 s2, $0x0  }
0x1fc: {  	s3 =	rddreg [dreg:$0x2];
	[bflag:$0x3] =	sbarrier.arrive $0xFFFF;
	s2 =	simm.s32 @!p0 $0x1C03  }
0x1fd: {  	[timem:s3], [sflag:s2] =	dma.local @!p0 [hbm:s0], s1  }
0x1fe: {  	s0 =	simm.s32 @!p0 $0x3  }
0x1ff: {  	_ =	swait.ge @!p0 [sflag:s0], s1  }
0x200: {  	s1 =	ssub.s32 @!p0 $0x0, s1;
	[sflag:s0] =	ssyncset.done @!p0 $0x0  }
0x201: {  	[sflag:s0] =	ssyncadd.s32 @!p0 s1  }
0x202: {  	[bflag:$0x3] =	sbarrier.arrive $0xFFFF  }
0x203: {  	_ =	shalt  }

</sc_bundles>
